<compile_context>
chip_gen: v7x
topology: tpu7x:2x2x1
jax: 0.10.2.dev20260603
libtpu: 0.0.44.dev20260713+nightly
codegen_flags: <defaults>
</compile_context>

<pallas_src>
import functools

import jax
import jax.numpy as jnp
import numpy as np
from jax import lax
from jax.experimental import pallas as pl
from jax.experimental.pallas import tpu as pltpu
from jax.experimental.pallas import tpu_sc as plsc

_NC = 2
_NS = 16
_NW = _NC * _NS
_LANES = 16


def _prep_body(t_ref, o_ref, *, pad):
    vb = t_ref.shape[0]
    o_ref[...] = jnp.concatenate(
        [t_ref[...].astype(jnp.bfloat16),
         jnp.zeros((vb, pad), jnp.bfloat16)],
        axis=1,
    )


def _prep_table(table, Dp):
    V, D = table.shape
    Vp = ((V + 7) // 8) * 8
    VB = 2048
    grid = ((Vp + VB - 1) // VB,)
    return pl.pallas_call(
        functools.partial(_prep_body, pad=Dp - D),
        grid=grid,
        in_specs=[pl.BlockSpec((VB, D), lambda i: (i, 0))],
        out_specs=pl.BlockSpec((VB, Dp), lambda i: (i, 0)),
        out_shape=jax.ShapeDtypeStruct((Vp, Dp), jnp.bfloat16),
    )(table)


def _gather_sum_sc(x, table_b):
    B, S = x.shape
    _, Dp = table_b.shape
    assert B % _NW == 0 and Dp % (2 * _LANES) == 0
    BW = B // _NW
    C0 = 104
    C1 = S - C0
    assert C0 % 8 == 0 and C1 % 8 == 0 and C0 <= 128 and C1 <= 128
    _CHUNKS = ((0, C0), (C0, C1))
    KV = Dp // (2 * _LANES)
    assert S % 2 == 0 and BW % 2 == 0 and BW >= 4

    mesh = plsc.VectorSubcoreMesh(core_axis_name="c", subcore_axis_name="s")

    @functools.partial(
        pl.kernel,
        out_type=jax.ShapeDtypeStruct((B, Dp), jnp.float32),
        mesh=mesh,
        scratch_types=[
            pltpu.VMEM((S,), jnp.int32),
            pltpu.VMEM((S,), jnp.int32),
            pltpu.VMEM((S, Dp), jnp.bfloat16),
            pltpu.VMEM((S, Dp), jnp.bfloat16),
            pltpu.VMEM((Dp,), jnp.float32),
            pltpu.VMEM((Dp,), jnp.float32),
            pltpu.SemaphoreType.DMA,
            pltpu.SemaphoreType.DMA,
            pltpu.SemaphoreType.DMA,
        ],
        compiler_params=pltpu.CompilerParams(
            use_tc_tiling_on_sc=False, needs_layout_passes=False),
    )
    def gather_sum(x_hbm, tab_hbm, out_hbm, idx0, idx1, rows0, rows1,
                   st0, st1, gsem, isem, osem):
        wid = lax.axis_index("s") * _NC + lax.axis_index("c")
        base_e = wid * BW

        def fire_gathers(idx_v, rows_v):
            for off, sz in _CHUNKS:
                pltpu.async_copy(
                    tab_hbm.at[idx_v.at[pl.ds(off, sz)]],
                    rows_v.at[pl.ds(off, sz)],
                    gsem,
                )

        def wait_gathers(idx_v, rows_v):
            for off, sz in _CHUNKS:
                pltpu.make_async_copy(
                    tab_hbm.at[idx_v.at[pl.ds(off, sz)]],
                    rows_v.at[pl.ds(off, sz)],
                    gsem,
                ).wait()

        pltpu.sync_copy(x_hbm.at[base_e], idx0)
        fire_gathers(idx0, rows0)
        pltpu.async_copy(x_hbm.at[base_e + 1], idx1, isem)

        bufs = ((idx0, rows0, st0), (idx1, rows1, st1))

        def accumulate(rows_c):
            zero = tuple(
                jnp.zeros((_LANES,), jnp.float32) for _ in range(2 * KV))

            def acc_body(j, acc):
                res = list(acc)
                for p in range(2):
                    for k in range(KV):
                        va = rows_c[j + 2 * p,
                                    pl.ds(2 * _LANES * k, 2 * _LANES)]
                        vb = rows_c[j + 2 * p + 1,
                                    pl.ds(2 * _LANES * k, 2 * _LANES)]
                        a, b = plsc.unpack(
                            va + vb, format=plsc.PackFormat.INTERLEAVED)
                        res[2 * k] = res[2 * k] + a
                        res[2 * k + 1] = res[2 * k + 1] + b
                return tuple(res)

            return plsc.parallel_loop(0, S, step=4, carry=zero)(acc_body)

        def body(i, carry):
            for b in (0, 1):
                ec = 2 * i + b
                idx_c, rows_c, st_c = bufs[b]
                idx_n, rows_n, _ = bufs[1 - b]

                @pl.when(ec + 1 < BW)
                def _fire():
                    pltpu.make_async_copy(
                        x_hbm.at[base_e], idx_n, isem).wait()
                    fire_gathers(idx_n, rows_n)

                wait_gathers(idx_c, rows_c)

                @pl.when(ec + 2 < BW)
                def _prefetch():
                    pltpu.async_copy(x_hbm.at[base_e + ec + 2], idx_c, isem)

                acc = accumulate(rows_c)

                @pl.when(ec >= 2)
                def _reclaim():
                    pltpu.make_async_copy(
                        st_c, out_hbm.at[base_e], osem).wait()
                for k in range(KV):
                    st_c[pl.ds(2 * _LANES * k, _LANES)] = acc[2 * k]
                    st_c[pl.ds(2 * _LANES * k + _LANES, _LANES)] = (
                        acc[2 * k + 1])
                pltpu.async_copy(st_c, out_hbm.at[base_e + ec], osem)
            return carry

        lax.fori_loop(0, BW // 2, body, 0)
        pltpu.make_async_copy(st0, out_hbm.at[base_e], osem).wait()
        pltpu.make_async_copy(st1, out_hbm.at[base_e], osem).wait()

    return gather_sum(x, table_b)


def _stats_body(s_ref, w1_ref, b1_ref, o_ref, acc_ref, *, seq):
    i = pl.program_id(0)
    h = (
        jnp.dot(s_ref[...], w1_ref[...], preferred_element_type=jnp.float32)
        * (1.0 / seq)
        + b1_ref[...]
    )
    ps = jnp.sum(h, axis=0, keepdims=True)
    ps2 = jnp.sum(h * h, axis=0, keepdims=True)
    st = jnp.concatenate([ps, ps2], axis=0)

    @pl.when(i == 0)
    def _init():
        acc_ref[...] = st

    @pl.when(i > 0)
    def _acc():
        acc_ref[...] = acc_ref[...] + st

    @pl.when(i == pl.num_programs(0) - 1)
    def _out():
        o_ref[...] = acc_ref[...]


def _apply_body(
    s_ref, w1_ref, b1_ref, st_ref, g_ref, be_ref, w2_ref, b2_ref, o_ref,
    *, seq, batch
):
    h = (
        jnp.dot(s_ref[...], w1_ref[...], preferred_element_type=jnp.float32)
        * (1.0 / seq)
        + b1_ref[...]
    )
    mu = st_ref[0:1, :] * (1.0 / batch)
    var = st_ref[1:2, :] * (1.0 / batch) - mu * mu
    inv = lax.rsqrt(var + 1e-5)
    hn = (h - mu) * (g_ref[...] * inv) + be_ref[...]
    hr = jnp.maximum(hn, 0.0)
    o_ref[...] = (
        jnp.dot(hr, w2_ref[...], preferred_element_type=jnp.float32)
        + b2_ref[...]
    )


def kernel(x, table, W1, b1, gamma, beta, W2, b2):
    B, S = x.shape
    V, D = table.shape
    H = W1.shape[1]
    Lb = W2.shape[1]
    Dp = ((D + 2 * _LANES - 1) // (2 * _LANES)) * (2 * _LANES)

    table_b = _prep_table(table, Dp)
    s = _gather_sum_sc(x, table_b)

    q = np.arange(Dp)
    k32, t = q // 32, q % 32
    perm = np.where(t < 16, 32 * k32 + 2 * t, 32 * k32 + 2 * (t - 16) + 1)
    W1p = jnp.pad(W1, ((0, Dp - D), (0, 0)))[perm, :]
    b1r = b1.reshape(1, H)

    BT = 2048
    grid = (B // BT,)
    sums = pl.pallas_call(
        functools.partial(_stats_body, seq=S),
        grid=grid,
        in_specs=[
            pl.BlockSpec((BT, Dp), lambda i: (i, 0)),
            pl.BlockSpec((Dp, H), lambda i: (0, 0)),
            pl.BlockSpec((1, H), lambda i: (0, 0)),
        ],
        out_specs=pl.BlockSpec((2, H), lambda i: (0, 0)),
        out_shape=jax.ShapeDtypeStruct((2, H), jnp.float32),
        scratch_shapes=[pltpu.VMEM((2, H), jnp.float32)],
    )(s, W1p, b1r)

    out = pl.pallas_call(
        functools.partial(_apply_body, seq=S, batch=B),
        grid=grid,
        in_specs=[
            pl.BlockSpec((BT, Dp), lambda i: (i, 0)),
            pl.BlockSpec((Dp, H), lambda i: (0, 0)),
            pl.BlockSpec((1, H), lambda i: (0, 0)),
            pl.BlockSpec((2, H), lambda i: (0, 0)),
            pl.BlockSpec((1, H), lambda i: (0, 0)),
            pl.BlockSpec((1, H), lambda i: (0, 0)),
            pl.BlockSpec((H, Lb), lambda i: (0, 0)),
            pl.BlockSpec((1, Lb), lambda i: (0, 0)),
        ],
        out_specs=pl.BlockSpec((BT, Lb), lambda i: (i, 0)),
        out_shape=jax.ShapeDtypeStruct((B, Lb), jnp.float32),
    )(s, W1p, b1r, sums, gamma.reshape(1, H), beta.reshape(1, H), W2,
      b2.reshape(1, Lb))
    return out

# --- scband reference (transcript-rebuilt; emitter-appended) ---
"""Pipeline reference for scband-fast-text-19301583028553 (READ-ONLY COPY).

The authoritative reference and input builder live on the scoring server;
editing this copy changes nothing except your own understanding.
"""

import jax, jax.numpy as jnp
import numpy as np

NUM_EMB = 95811
VEC_DIM = 300
HIDDEN = 256
LABELS = 4
BATCH = 16384
SEQ = 200


def setup_inputs(seed: int = 0) -> dict:
    key = jax.random.key(seed)
    ks = jax.random.split(key, 8)
    x = jax.random.randint(ks[0], (BATCH, SEQ), 0, NUM_EMB, dtype=jnp.int64 if jax.config.jax_enable_x64 else jnp.int32).astype(jnp.int32)
    table = jax.random.normal(ks[1], (NUM_EMB, VEC_DIM), dtype=jnp.float32) * 0.02
    W1 = jax.random.normal(ks[2], (VEC_DIM, HIDDEN), dtype=jnp.float32) * (1.0 / np.sqrt(VEC_DIM))
    b1 = jnp.zeros((HIDDEN,), dtype=jnp.float32)
    gamma = jnp.ones((HIDDEN,), dtype=jnp.float32)
    beta = jnp.zeros((HIDDEN,), dtype=jnp.float32)
    W2 = jax.random.normal(ks[3], (HIDDEN, LABELS), dtype=jnp.float32) * (1.0 / np.sqrt(HIDDEN))
    b2 = jnp.zeros((LABELS,), dtype=jnp.float32)
    return {"x": x, "table": table, "W1": W1, "b1": b1, "gamma": gamma, "beta": beta, "W2": W2, "b2": b2}


def reference(x, table, W1, b1, gamma, beta, W2, b2):
    # embedding lookup: [B, L, vec_dim]
    emb = jnp.take(table, x, axis=0)
    # mean over sequence dim
    m = jnp.mean(emb, axis=1)
    # Linear(vec_dim, hidden)
    h = m @ W1 + b1
    # BatchNorm1d in training mode: normalize with batch statistics (biased var)
    mu = jnp.mean(h, axis=0)
    var = jnp.var(h, axis=0)
    hn = (h - mu) / jnp.sqrt(var + 1e-5) * gamma + beta
    # ReLU
    hr = jnp.maximum(hn, 0.0)
    # Linear(hidden, label_size)
    out = hr @ W2 + b2
    return out

if __name__ == "__main__":
    import jax
    _d = setup_inputs()
    print(jax.jit(kernel)(*tuple(_d.values())))

</pallas_src>

<mosaic_0001>
#map = affine_map<(d0, d1) -> (0, 0)>
module attributes {stable_mosaic.version = 14 : i64} {
  func.func @gather_sum(%arg0: i32, %arg1: i32, %arg2: memref<16384x200xi32, #tpu.memory_space<hbm>>, %arg3: memref<95816x320xbf16, #tpu.memory_space<hbm>>, %arg4: memref<16384x320xf32, #tpu.memory_space<hbm>>, %arg5: memref<200xi32, #tpu.memory_space<vmem>>, %arg6: memref<200xi32, #tpu.memory_space<vmem>>, %arg7: memref<200x320xbf16, #tpu.memory_space<vmem>>, %arg8: memref<200x320xbf16, #tpu.memory_space<vmem>>, %arg9: memref<320xf32, #tpu.memory_space<vmem>>, %arg10: memref<320xf32, #tpu.memory_space<vmem>>, %arg11: memref<!tpu.dma_semaphore, #tpu.memory_space<semaphore_mem>>, %arg12: memref<!tpu.dma_semaphore, #tpu.memory_space<semaphore_mem>>, %arg13: memref<!tpu.dma_semaphore, #tpu.memory_space<semaphore_mem>>) attributes {dimension_semantics = [#tpu.dimension_semantics<core_parallel>, #tpu.dimension_semantics<subcore_parallel>], iteration_bounds = array<i64: 2, 16>, scalar_prefetch = 0 : i64, scratch_operands = 9 : i64, tpu.core_type = #tpu.core_type<sc_vector_subcore>, window_params = [{transform_indices = #map}, {transform_indices = #map}, {transform_indices = #map}]} {
    %mul3A = arith.constant 2 : i32
    %mul3A_0 = arith.muli %arg1, %mul3A : i32
    %add3A = arith.addi %mul3A_0, %arg0 : i32
    %mul3A_1 = arith.constant 512 : i32
    %mul3A_2 = arith.muli %add3A, %mul3A_1 : i32
    "tpu.region"() ({
      %run_scoped3A = tpu.sem_alloc : memref<!tpu.dma_semaphore, #tpu.memory_space<semaphore_mem>>
      %dma_start3A_42 = arith.constant 0 : i32
      %dma_start3A_43 = tpu.memref_slice %arg2[%mul3A_2, %dma_start3A_42] : memref<16384x200xi32, #tpu.memory_space<hbm>> -> memref<1x200xi32, #tpu.memory_space<hbm>>
      %dma_start3A_44 = tpu.memref_squeeze %dma_start3A_43 : memref<1x200xi32, #tpu.memory_space<hbm>> -> memref<200xi32, #tpu.memory_space<hbm>>
      %dma_start3A_45 = arith.constant 0 : i32
      %dma_start3A_46 = tpu.memref_slice %arg2[%mul3A_2, %dma_start3A_45] : memref<16384x200xi32, #tpu.memory_space<hbm>> -> memref<1x200xi32, #tpu.memory_space<hbm>>
      %dma_start3A_47 = tpu.memref_squeeze %dma_start3A_46 : memref<1x200xi32, #tpu.memory_space<hbm>> -> memref<200xi32, #tpu.memory_space<hbm>>
      tpu.enqueue_dma source(%dma_start3A_47 : memref<200xi32, #tpu.memory_space<hbm>>) target(%arg5 : memref<200xi32, #tpu.memory_space<vmem>>) target_semaphore(%run_scoped3A : memref<!tpu.dma_semaphore, #tpu.memory_space<semaphore_mem>>)
      %dma_wait3A_48 = arith.constant 0 : i32
      %dma_wait3A_49 = tpu.memref_slice %arg2[%mul3A_2, %dma_wait3A_48] : memref<16384x200xi32, #tpu.memory_space<hbm>> -> memref<1x200xi32, #tpu.memory_space<hbm>>
      %dma_wait3A_50 = tpu.memref_squeeze %dma_wait3A_49 : memref<1x200xi32, #tpu.memory_space<hbm>> -> memref<200xi32, #tpu.memory_space<hbm>>
      %dma_wait3A_51 = arith.constant 0 : i32
      %dma_wait3A_52 = tpu.memref_slice %arg2[%mul3A_2, %dma_wait3A_51] : memref<16384x200xi32, #tpu.memory_space<hbm>> -> memref<1x200xi32, #tpu.memory_space<hbm>>
      %dma_wait3A_53 = tpu.memref_squeeze %dma_wait3A_52 : memref<1x200xi32, #tpu.memory_space<hbm>> -> memref<200xi32, #tpu.memory_space<hbm>>
      tpu.wait_dma2 semaphore(%run_scoped3A : memref<!tpu.dma_semaphore, #tpu.memory_space<semaphore_mem>>) src(%dma_wait3A_53 : memref<200xi32, #tpu.memory_space<hbm>>) dst(%arg5 : memref<200xi32, #tpu.memory_space<vmem>>)
      tpu.yield
    }) : () -> ()
    %dma_start3A = arith.constant 0 : i32
    %dma_start3A_3 = arith.constant 0 : i32
    %dma_start3A_4 = tpu.memref_slice %arg7[%dma_start3A, %dma_start3A_3] : memref<200x320xbf16, #tpu.memory_space<vmem>> -> memref<104x320xbf16, #tpu.memory_space<vmem>>
    %dma_start3A_5 = arith.constant 0 : i32
    %dma_start3A_6 = tpu.memref_slice %arg5[%dma_start3A_5] : memref<200xi32, #tpu.memory_space<vmem>> -> memref<104xi32, #tpu.memory_space<vmem>>
    %dma_start3A_7 = arith.constant 0 : i32
    %dma_start3A_8 = arith.constant 0 : i32
    %dma_start3A_9 = tpu.memref_slice %arg3[%dma_start3A_7, %dma_start3A_8] : memref<95816x320xbf16, #tpu.memory_space<hbm>> -> memref<95816x320xbf16, #tpu.memory_space<hbm>>
    tpu.enqueue_indirect_dma source(%dma_start3A_9 : memref<95816x320xbf16, #tpu.memory_space<hbm>>) target(%dma_start3A_4 : memref<104x320xbf16, #tpu.memory_space<vmem>>) offsets(%dma_start3A_6 : memref<104xi32, #tpu.memory_space<vmem>>) semaphore(%arg11 : memref<!tpu.dma_semaphore, #tpu.memory_space<semaphore_mem>>)
    %dma_start3A_10 = arith.constant 104 : i32
    %dma_start3A_11 = arith.constant 0 : i32
    %dma_start3A_12 = tpu.memref_slice %arg7[%dma_start3A_10, %dma_start3A_11] : memref<200x320xbf16, #tpu.memory_space<vmem>> -> memref<96x320xbf16, #tpu.memory_space<vmem>>
    %dma_start3A_13 = arith.constant 104 : i32
    %dma_start3A_14 = tpu.memref_slice %arg5[%dma_start3A_13] : memref<200xi32, #tpu.memory_space<vmem>> -> memref<96xi32, #tpu.memory_space<vmem>>
    %dma_start3A_15 = arith.constant 0 : i32
    %dma_start3A_16 = arith.constant 0 : i32
    %dma_start3A_17 = tpu.memref_slice %arg3[%dma_start3A_15, %dma_start3A_16] : memref<95816x320xbf16, #tpu.memory_space<hbm>> -> memref<95816x320xbf16, #tpu.memory_space<hbm>>
    tpu.enqueue_indirect_dma source(%dma_start3A_17 : memref<95816x320xbf16, #tpu.memory_space<hbm>>) target(%dma_start3A_12 : memref<96x320xbf16, #tpu.memory_space<vmem>>) offsets(%dma_start3A_14 : memref<96xi32, #tpu.memory_space<vmem>>) semaphore(%arg11 : memref<!tpu.dma_semaphore, #tpu.memory_space<semaphore_mem>>)
    %add3A_18 = arith.constant 1 : i32
    %add3A_19 = arith.addi %mul3A_2, %add3A_18 : i32
    %dma_start3A_20 = arith.constant 0 : i32
    %dma_start3A_21 = tpu.memref_slice %arg2[%add3A_19, %dma_start3A_20] : memref<16384x200xi32, #tpu.memory_space<hbm>> -> memref<1x200xi32, #tpu.memory_space<hbm>>
    %dma_start3A_22 = tpu.memref_squeeze %dma_start3A_21 : memref<1x200xi32, #tpu.memory_space<hbm>> -> memref<200xi32, #tpu.memory_space<hbm>>
    %dma_start3A_23 = arith.constant 0 : i32
    %dma_start3A_24 = tpu.memref_slice %arg2[%add3A_19, %dma_start3A_23] : memref<16384x200xi32, #tpu.memory_space<hbm>> -> memref<1x200xi32, #tpu.memory_space<hbm>>
    %dma_start3A_25 = tpu.memref_squeeze %dma_start3A_24 : memref<1x200xi32, #tpu.memory_space<hbm>> -> memref<200xi32, #tpu.memory_space<hbm>>
    tpu.enqueue_dma source(%dma_start3A_25 : memref<200xi32, #tpu.memory_space<hbm>>) target(%arg6 : memref<200xi32, #tpu.memory_space<vmem>>) target_semaphore(%arg12 : memref<!tpu.dma_semaphore, #tpu.memory_space<semaphore_mem>>)
    %scan3A = arith.constant 0 : i32
    %scan3A_26 = arith.constant 0 : i32
    %scan3A_27 = arith.constant 256 : i32
    %scan3A_28 = arith.addi %scan3A_26, %scan3A_27 : i32
    %scan3A_29 = arith.constant 1 : i32
    scf.for %scan3A_42 = %scan3A_26 to %scan3A_28 step %scan3A_29  : i32 {
      %mul3A_43 = arith.constant 2 : i32
      %mul3A_44 = arith.muli %mul3A_43, %scan3A_42 : i32
      %add3A_45 = arith.constant 0 : i32
      %add3A_46 = arith.addi %mul3A_44, %add3A_45 : i32
      %add3A_47 = arith.constant 1 : i32
      %add3A_48 = arith.addi %add3A_46, %add3A_47 : i32
      %lt3A = arith.constant 512 : i32
      %lt3A_49 = arith.cmpi slt, %add3A_48, %lt3A : i32
      %convert_element_type3A = arith.extui %lt3A_49 : i1 to i32
      %cond3A = arith.constant 0 : i32
      %cond3A_50 = arith.cmpi ne, %convert_element_type3A, %cond3A : i32
      scf.if %cond3A_50 {
        %dma_wait3A_296 = arith.constant 0 : i32
        %dma_wait3A_297 = tpu.memref_slice %arg2[%mul3A_2, %dma_wait3A_296] : memref<16384x200xi32, #tpu.memory_space<hbm>> -> memref<1x200xi32, #tpu.memory_space<hbm>>
        %dma_wait3A_298 = tpu.memref_squeeze %dma_wait3A_297 : memref<1x200xi32, #tpu.memory_space<hbm>> -> memref<200xi32, #tpu.memory_space<hbm>>
        %dma_wait3A_299 = arith.constant 0 : i32
        %dma_wait3A_300 = tpu.memref_slice %arg2[%mul3A_2, %dma_wait3A_299] : memref<16384x200xi32, #tpu.memory_space<hbm>> -> memref<1x200xi32, #tpu.memory_space<hbm>>
        %dma_wait3A_301 = tpu.memref_squeeze %dma_wait3A_300 : memref<1x200xi32, #tpu.memory_space<hbm>> -> memref<200xi32, #tpu.memory_space<hbm>>
        tpu.wait_dma2 semaphore(%arg12 : memref<!tpu.dma_semaphore, #tpu.memory_space<semaphore_mem>>) src(%dma_wait3A_301 : memref<200xi32, #tpu.memory_space<hbm>>) dst(%arg6 : memref<200xi32, #tpu.memory_space<vmem>>)
        %dma_start3A_302 = arith.constant 0 : i32
        %dma_start3A_303 = arith.constant 0 : i32
        %dma_start3A_304 = tpu.memref_slice %arg8[%dma_start3A_302, %dma_start3A_303] : memref<200x320xbf16, #tpu.memory_space<vmem>> -> memref<104x320xbf16, #tpu.memory_space<vmem>>
        %dma_start3A_305 = arith.constant 0 : i32
        %dma_start3A_306 = tpu.memref_slice %arg6[%dma_start3A_305] : memref<200xi32, #tpu.memory_space<vmem>> -> memref<104xi32, #tpu.memory_space<vmem>>
        %dma_start3A_307 = arith.constant 0 : i32
        %dma_start3A_308 = arith.constant 0 : i32
        %dma_start3A_309 = tpu.memref_slice %arg3[%dma_start3A_307, %dma_start3A_308] : memref<95816x320xbf16, #tpu.memory_space<hbm>> -> memref<95816x320xbf16, #tpu.memory_space<hbm>>
        tpu.enqueue_indirect_dma source(%dma_start3A_309 : memref<95816x320xbf16, #tpu.memory_space<hbm>>) target(%dma_start3A_304 : memref<104x320xbf16, #tpu.memory_space<vmem>>) offsets(%dma_start3A_306 : memref<104xi32, #tpu.memory_space<vmem>>) semaphore(%arg11 : memref<!tpu.dma_semaphore, #tpu.memory_space<semaphore_mem>>)
        %dma_start3A_310 = arith.constant 104 : i32
        %dma_start3A_311 = arith.constant 0 : i32
        %dma_start3A_312 = tpu.memref_slice %arg8[%dma_start3A_310, %dma_start3A_311] : memref<200x320xbf16, #tpu.memory_space<vmem>> -> memref<96x320xbf16, #tpu.memory_space<vmem>>
        %dma_start3A_313 = arith.constant 104 : i32
        %dma_start3A_314 = tpu.memref_slice %arg6[%dma_start3A_313] : memref<200xi32, #tpu.memory_space<vmem>> -> memref<96xi32, #tpu.memory_space<vmem>>
        %dma_start3A_315 = arith.constant 0 : i32
        %dma_start3A_316 = arith.constant 0 : i32
        %dma_start3A_317 = tpu.memref_slice %arg3[%dma_start3A_315, %dma_start3A_316] : memref<95816x320xbf16, #tpu.memory_space<hbm>> -> memref<95816x320xbf16, #tpu.memory_space<hbm>>
        tpu.enqueue_indirect_dma source(%dma_start3A_317 : memref<95816x320xbf16, #tpu.memory_space<hbm>>) target(%dma_start3A_312 : memref<96x320xbf16, #tpu.memory_space<vmem>>) offsets(%dma_start3A_314 : memref<96xi32, #tpu.memory_space<vmem>>) semaphore(%arg11 : memref<!tpu.dma_semaphore, #tpu.memory_space<semaphore_mem>>)
      } else {
      }
      %dma_wait3A_51 = arith.constant 0 : i32
      %dma_wait3A_52 = arith.constant 0 : i32
      %dma_wait3A_53 = tpu.memref_slice %arg7[%dma_wait3A_51, %dma_wait3A_52] : memref<200x320xbf16, #tpu.memory_space<vmem>> -> memref<104x320xbf16, #tpu.memory_space<vmem>>
      %dma_wait3A_54 = arith.constant 0 : i32
      %dma_wait3A_55 = tpu.memref_slice %arg5[%dma_wait3A_54] : memref<200xi32, #tpu.memory_space<vmem>> -> memref<104xi32, #tpu.memory_space<vmem>>
      %dma_wait3A_56 = arith.constant 0 : i32
      %dma_wait3A_57 = arith.constant 0 : i32
      %dma_wait3A_58 = tpu.memref_slice %arg3[%dma_wait3A_56, %dma_wait3A_57] : memref<95816x320xbf16, #tpu.memory_space<hbm>> -> memref<95816x320xbf16, #tpu.memory_space<hbm>>
      tpu.wait_indirect_dma semaphore(%arg11 : memref<!tpu.dma_semaphore, #tpu.memory_space<semaphore_mem>>) src(%dma_wait3A_58 : memref<95816x320xbf16, #tpu.memory_space<hbm>>) dst(%dma_wait3A_53 : memref<104x320xbf16, #tpu.memory_space<vmem>>)
      %dma_wait3A_59 = arith.constant 104 : i32
      %dma_wait3A_60 = arith.constant 0 : i32
      %dma_wait3A_61 = tpu.memref_slice %arg7[%dma_wait3A_59, %dma_wait3A_60] : memref<200x320xbf16, #tpu.memory_space<vmem>> -> memref<96x320xbf16, #tpu.memory_space<vmem>>
      %dma_wait3A_62 = arith.constant 104 : i32
      %dma_wait3A_63 = tpu.memref_slice %arg5[%dma_wait3A_62] : memref<200xi32, #tpu.memory_space<vmem>> -> memref<96xi32, #tpu.memory_space<vmem>>
      %dma_wait3A_64 = arith.constant 0 : i32
      %dma_wait3A_65 = arith.constant 0 : i32
      %dma_wait3A_66 = tpu.memref_slice %arg3[%dma_wait3A_64, %dma_wait3A_65] : memref<95816x320xbf16, #tpu.memory_space<hbm>> -> memref<95816x320xbf16, #tpu.memory_space<hbm>>
      tpu.wait_indirect_dma semaphore(%arg11 : memref<!tpu.dma_semaphore, #tpu.memory_space<semaphore_mem>>) src(%dma_wait3A_66 : memref<95816x320xbf16, #tpu.memory_space<hbm>>) dst(%dma_wait3A_61 : memref<96x320xbf16, #tpu.memory_space<vmem>>)
      %add3A_67 = arith.constant 2 : i32
      %add3A_68 = arith.addi %add3A_46, %add3A_67 : i32
      %lt3A_69 = arith.constant 512 : i32
      %lt3A_70 = arith.cmpi slt, %add3A_68, %lt3A_69 : i32
      %convert_element_type3A_71 = arith.extui %lt3A_70 : i1 to i32
      %cond3A_72 = arith.constant 0 : i32
      %cond3A_73 = arith.cmpi ne, %convert_element_type3A_71, %cond3A_72 : i32
      scf.if %cond3A_73 {
        %add3A_296 = arith.addi %mul3A_2, %add3A_46 : i32
        %add3A_297 = arith.constant 2 : i32
        %add3A_298 = arith.addi %add3A_296, %add3A_297 : i32
        %dma_start3A_299 = arith.constant 0 : i32
        %dma_start3A_300 = tpu.memref_slice %arg2[%add3A_298, %dma_start3A_299] : memref<16384x200xi32, #tpu.memory_space<hbm>> -> memref<1x200xi32, #tpu.memory_space<hbm>>
        %dma_start3A_301 = tpu.memref_squeeze %dma_start3A_300 : memref<1x200xi32, #tpu.memory_space<hbm>> -> memref<200xi32, #tpu.memory_space<hbm>>
        %dma_start3A_302 = arith.constant 0 : i32
        %dma_start3A_303 = tpu.memref_slice %arg2[%add3A_298, %dma_start3A_302] : memref<16384x200xi32, #tpu.memory_space<hbm>> -> memref<1x200xi32, #tpu.memory_space<hbm>>
        %dma_start3A_304 = tpu.memref_squeeze %dma_start3A_303 : memref<1x200xi32, #tpu.memory_space<hbm>> -> memref<200xi32, #tpu.memory_space<hbm>>
        tpu.enqueue_dma source(%dma_start3A_304 : memref<200xi32, #tpu.memory_space<hbm>>) target(%arg5 : memref<200xi32, #tpu.memory_space<vmem>>) target_semaphore(%arg12 : memref<!tpu.dma_semaphore, #tpu.memory_space<semaphore_mem>>)
      } else {
      }
      %broadcast_in_dim3A = arith.constant 0.000000e+00 : f32
      %broadcast_in_dim3A_74 = vector.broadcast %broadcast_in_dim3A : f32 to vector<16xf32>
      %broadcast_in_dim3A_75 = arith.constant 0.000000e+00 : f32
      %broadcast_in_dim3A_76 = vector.broadcast %broadcast_in_dim3A_75 : f32 to vector<16xf32>
      %broadcast_in_dim3A_77 = arith.constant 0.000000e+00 : f32
      %broadcast_in_dim3A_78 = vector.broadcast %broadcast_in_dim3A_77 : f32 to vector<16xf32>
      %broadcast_in_dim3A_79 = arith.constant 0.000000e+00 : f32
      %broadcast_in_dim3A_80 = vector.broadcast %broadcast_in_dim3A_79 : f32 to vector<16xf32>
      %broadcast_in_dim3A_81 = arith.constant 0.000000e+00 : f32
      %broadcast_in_dim3A_82 = vector.broadcast %broadcast_in_dim3A_81 : f32 to vector<16xf32>
      %broadcast_in_dim3A_83 = arith.constant 0.000000e+00 : f32
      %broadcast_in_dim3A_84 = vector.broadcast %broadcast_in_dim3A_83 : f32 to vector<16xf32>
      %broadcast_in_dim3A_85 = arith.constant 0.000000e+00 : f32
      %broadcast_in_dim3A_86 = vector.broadcast %broadcast_in_dim3A_85 : f32 to vector<16xf32>
      %broadcast_in_dim3A_87 = arith.constant 0.000000e+00 : f32
      %broadcast_in_dim3A_88 = vector.broadcast %broadcast_in_dim3A_87 : f32 to vector<16xf32>
      %broadcast_in_dim3A_89 = arith.constant 0.000000e+00 : f32
      %broadcast_in_dim3A_90 = vector.broadcast %broadcast_in_dim3A_89 : f32 to vector<16xf32>
      %broadcast_in_dim3A_91 = arith.constant 0.000000e+00 : f32
      %broadcast_in_dim3A_92 = vector.broadcast %broadcast_in_dim3A_91 : f32 to vector<16xf32>
      %broadcast_in_dim3A_93 = arith.constant 0.000000e+00 : f32
      %broadcast_in_dim3A_94 = vector.broadcast %broadcast_in_dim3A_93 : f32 to vector<16xf32>
      %broadcast_in_dim3A_95 = arith.constant 0.000000e+00 : f32
      %broadcast_in_dim3A_96 = vector.broadcast %broadcast_in_dim3A_95 : f32 to vector<16xf32>
      %broadcast_in_dim3A_97 = arith.constant 0.000000e+00 : f32
      %broadcast_in_dim3A_98 = vector.broadcast %broadcast_in_dim3A_97 : f32 to vector<16xf32>
      %broadcast_in_dim3A_99 = arith.constant 0.000000e+00 : f32
      %broadcast_in_dim3A_100 = vector.broadcast %broadcast_in_dim3A_99 : f32 to vector<16xf32>
      %broadcast_in_dim3A_101 = arith.constant 0.000000e+00 : f32
      %broadcast_in_dim3A_102 = vector.broadcast %broadcast_in_dim3A_101 : f32 to vector<16xf32>
      %broadcast_in_dim3A_103 = arith.constant 0.000000e+00 : f32
      %broadcast_in_dim3A_104 = vector.broadcast %broadcast_in_dim3A_103 : f32 to vector<16xf32>
      %broadcast_in_dim3A_105 = arith.constant 0.000000e+00 : f32
      %broadcast_in_dim3A_106 = vector.broadcast %broadcast_in_dim3A_105 : f32 to vector<16xf32>
      %broadcast_in_dim3A_107 = arith.constant 0.000000e+00 : f32
      %broadcast_in_dim3A_108 = vector.broadcast %broadcast_in_dim3A_107 : f32 to vector<16xf32>
      %broadcast_in_dim3A_109 = arith.constant 0.000000e+00 : f32
      %broadcast_in_dim3A_110 = vector.broadcast %broadcast_in_dim3A_109 : f32 to vector<16xf32>
      %broadcast_in_dim3A_111 = arith.constant 0.000000e+00 : f32
      %broadcast_in_dim3A_112 = vector.broadcast %broadcast_in_dim3A_111 : f32 to vector<16xf32>
      %parallel_loop3A = arith.constant 0 : i32
      %parallel_loop3A_113 = arith.constant 200 : i32
      %parallel_loop3A_114 = arith.constant 4 : i32
      %parallel_loop3A_115:20 = scf.for %parallel_loop3A_296 = %parallel_loop3A to %parallel_loop3A_113 step %parallel_loop3A_114 iter_args(%parallel_loop3A_297 = %broadcast_in_dim3A_74, %parallel_loop3A_298 = %broadcast_in_dim3A_76, %parallel_loop3A_299 = %broadcast_in_dim3A_78, %parallel_loop3A_300 = %broadcast_in_dim3A_80, %parallel_loop3A_301 = %broadcast_in_dim3A_82, %parallel_loop3A_302 = %broadcast_in_dim3A_84, %parallel_loop3A_303 = %broadcast_in_dim3A_86, %parallel_loop3A_304 = %broadcast_in_dim3A_88, %parallel_loop3A_305 = %broadcast_in_dim3A_90, %parallel_loop3A_306 = %broadcast_in_dim3A_92, %parallel_loop3A_307 = %broadcast_in_dim3A_94, %parallel_loop3A_308 = %broadcast_in_dim3A_96, %parallel_loop3A_309 = %broadcast_in_dim3A_98, %parallel_loop3A_310 = %broadcast_in_dim3A_100, %parallel_loop3A_311 = %broadcast_in_dim3A_102, %parallel_loop3A_312 = %broadcast_in_dim3A_104, %parallel_loop3A_313 = %broadcast_in_dim3A_106, %parallel_loop3A_314 = %broadcast_in_dim3A_108, %parallel_loop3A_315 = %broadcast_in_dim3A_110, %parallel_loop3A_316 = %broadcast_in_dim3A_112) -> (vector<16xf32>, vector<16xf32>, vector<16xf32>, vector<16xf32>, vector<16xf32>, vector<16xf32>, vector<16xf32>, vector<16xf32>, vector<16xf32>, vector<16xf32>, vector<16xf32>, vector<16xf32>, vector<16xf32>, vector<16xf32>, vector<16xf32>, vector<16xf32>, vector<16xf32>, vector<16xf32>, vector<16xf32>, vector<16xf32>)  : i32 {
        %parallel_loop3A_317 = arith.constant 0 : i32
        %parallel_loop3A_318 = arith.addi %parallel_loop3A_296, %parallel_loop3A_317 : i32
        %parallel_loop3A_319 = arith.index_cast %parallel_loop3A_318 : i32 to index
        %parallel_loop3A_320 = arith.constant 0 : index
        %parallel_loop3A_321 = tpu.vector_load %arg7[%parallel_loop3A_319, %parallel_loop3A_320] {strides = array<i32>} : memref<200x320xbf16, #tpu.memory_space<vmem>>, vector<32xbf16>,
        %parallel_loop3A_322 = arith.constant 0 : i32
        %parallel_loop3A_323 = arith.addi %parallel_loop3A_296, %parallel_loop3A_322 : i32
        %parallel_loop3A_324 = arith.constant 1 : i32
        %parallel_loop3A_325 = arith.addi %parallel_loop3A_323, %parallel_loop3A_324 : i32
        %parallel_loop3A_326 = arith.index_cast %parallel_loop3A_325 : i32 to index
        %parallel_loop3A_327 = arith.constant 0 : index
        %parallel_loop3A_328 = tpu.vector_load %arg7[%parallel_loop3A_326, %parallel_loop3A_327] {strides = array<i32>} : memref<200x320xbf16, #tpu.memory_space<vmem>>, vector<32xbf16>,
        %parallel_loop3A_329 = arith.addf %parallel_loop3A_321, %parallel_loop3A_328 : vector<32xbf16>
        %parallel_loop3A_330 = tpu.unpack_subelements %parallel_loop3A_329, 0 {pack_format = #tpu.pack_format<interleaved>} : vector<32xbf16> -> vector<16xf32>
        %parallel_loop3A_331 = tpu.unpack_subelements %parallel_loop3A_329, 1 {pack_format = #tpu.pack_format<interleaved>} : vector<32xbf16> -> vector<16xf32>
        %parallel_loop3A_332 = arith.addf %parallel_loop3A_297, %parallel_loop3A_330 : vector<16xf32>
        %parallel_loop3A_333 = arith.addf %parallel_loop3A_298, %parallel_loop3A_331 : vector<16xf32>
        %parallel_loop3A_334 = arith.constant 0 : i32
        %parallel_loop3A_335 = arith.addi %parallel_loop3A_296, %parallel_loop3A_334 : i32
        %parallel_loop3A_336 = arith.index_cast %parallel_loop3A_335 : i32 to index
        %parallel_loop3A_337 = arith.constant 32 : index
        %parallel_loop3A_338 = tpu.vector_load %arg7[%parallel_loop3A_336, %parallel_loop3A_337] {strides = array<i32>} : memref<200x320xbf16, #tpu.memory_space<vmem>>, vector<32xbf16>,
        %parallel_loop3A_339 = arith.constant 0 : i32
        %parallel_loop3A_340 = arith.addi %parallel_loop3A_296, %parallel_loop3A_339 : i32
        %parallel_loop3A_341 = arith.constant 1 : i32
        %parallel_loop3A_342 = arith.addi %parallel_loop3A_340, %parallel_loop3A_341 : i32
        %parallel_loop3A_343 = arith.index_cast %parallel_loop3A_342 : i32 to index
        %parallel_loop3A_344 = arith.constant 32 : index
        %parallel_loop3A_345 = tpu.vector_load %arg7[%parallel_loop3A_343, %parallel_loop3A_344] {strides = array<i32>} : memref<200x320xbf16, #tpu.memory_space<vmem>>, vector<32xbf16>,
        %parallel_loop3A_346 = arith.addf %parallel_loop3A_338, %parallel_loop3A_345 : vector<32xbf16>
        %parallel_loop3A_347 = tpu.unpack_subelements %parallel_loop3A_346, 0 {pack_format = #tpu.pack_format<interleaved>} : vector<32xbf16> -> vector<16xf32>
        %parallel_loop3A_348 = tpu.unpack_subelements %parallel_loop3A_346, 1 {pack_format = #tpu.pack_format<interleaved>} : vector<32xbf16> -> vector<16xf32>
        %parallel_loop3A_349 = arith.addf %parallel_loop3A_299, %parallel_loop3A_347 : vector<16xf32>
        %parallel_loop3A_350 = arith.addf %parallel_loop3A_300, %parallel_loop3A_348 : vector<16xf32>
        %parallel_loop3A_351 = arith.constant 0 : i32
        %parallel_loop3A_352 = arith.addi %parallel_loop3A_296, %parallel_loop3A_351 : i32
        %parallel_loop3A_353 = arith.index_cast %parallel_loop3A_352 : i32 to index
        %parallel_loop3A_354 = arith.constant 64 : index
        %parallel_loop3A_355 = tpu.vector_load %arg7[%parallel_loop3A_353, %parallel_loop3A_354] {strides = array<i32>} : memref<200x320xbf16, #tpu.memory_space<vmem>>, vector<32xbf16>,
        %parallel_loop3A_356 = arith.constant 0 : i32
        %parallel_loop3A_357 = arith.addi %parallel_loop3A_296, %parallel_loop3A_356 : i32
        %parallel_loop3A_358 = arith.constant 1 : i32
        %parallel_loop3A_359 = arith.addi %parallel_loop3A_357, %parallel_loop3A_358 : i32
        %parallel_loop3A_360 = arith.index_cast %parallel_loop3A_359 : i32 to index
        %parallel_loop3A_361 = arith.constant 64 : index
        %parallel_loop3A_362 = tpu.vector_load %arg7[%parallel_loop3A_360, %parallel_loop3A_361] {strides = array<i32>} : memref<200x320xbf16, #tpu.memory_space<vmem>>, vector<32xbf16>,
        %parallel_loop3A_363 = arith.addf %parallel_loop3A_355, %parallel_loop3A_362 : vector<32xbf16>
        %parallel_loop3A_364 = tpu.unpack_subelements %parallel_loop3A_363, 0 {pack_format = #tpu.pack_format<interleaved>} : vector<32xbf16> -> vector<16xf32>
        %parallel_loop3A_365 = tpu.unpack_subelements %parallel_loop3A_363, 1 {pack_format = #tpu.pack_format<interleaved>} : vector<32xbf16> -> vector<16xf32>
        %parallel_loop3A_366 = arith.addf %parallel_loop3A_301, %parallel_loop3A_364 : vector<16xf32>
        %parallel_loop3A_367 = arith.addf %parallel_loop3A_302, %parallel_loop3A_365 : vector<16xf32>
        %parallel_loop3A_368 = arith.constant 0 : i32
        %parallel_loop3A_369 = arith.addi %parallel_loop3A_296, %parallel_loop3A_368 : i32
        %parallel_loop3A_370 = arith.index_cast %parallel_loop3A_369 : i32 to index
        %parallel_loop3A_371 = arith.constant 96 : index
        %parallel_loop3A_372 = tpu.vector_load %arg7[%parallel_loop3A_370, %parallel_loop3A_371] {strides = array<i32>} : memref<200x320xbf16, #tpu.memory_space<vmem>>, vector<32xbf16>,
        %parallel_loop3A_373 = arith.constant 0 : i32
        %parallel_loop3A_374 = arith.addi %parallel_loop3A_296, %parallel_loop3A_373 : i32
        %parallel_loop3A_375 = arith.constant 1 : i32
        %parallel_loop3A_376 = arith.addi %parallel_loop3A_374, %parallel_loop3A_375 : i32
        %parallel_loop3A_377 = arith.index_cast %parallel_loop3A_376 : i32 to index
        %parallel_loop3A_378 = arith.constant 96 : index
        %parallel_loop3A_379 = tpu.vector_load %arg7[%parallel_loop3A_377, %parallel_loop3A_378] {strides = array<i32>} : memref<200x320xbf16, #tpu.memory_space<vmem>>, vector<32xbf16>,
        %parallel_loop3A_380 = arith.addf %parallel_loop3A_372, %parallel_loop3A_379 : vector<32xbf16>
        %parallel_loop3A_381 = tpu.unpack_subelements %parallel_loop3A_380, 0 {pack_format = #tpu.pack_format<interleaved>} : vector<32xbf16> -> vector<16xf32>
        %parallel_loop3A_382 = tpu.unpack_subelements %parallel_loop3A_380, 1 {pack_format = #tpu.pack_format<interleaved>} : vector<32xbf16> -> vector<16xf32>
        %parallel_loop3A_383 = arith.addf %parallel_loop3A_303, %parallel_loop3A_381 : vector<16xf32>
        %parallel_loop3A_384 = arith.addf %parallel_loop3A_304, %parallel_loop3A_382 : vector<16xf32>
        %parallel_loop3A_385 = arith.constant 0 : i32
        %parallel_loop3A_386 = arith.addi %parallel_loop3A_296, %parallel_loop3A_385 : i32
        %parallel_loop3A_387 = arith.index_cast %parallel_loop3A_386 : i32 to index
        %parallel_loop3A_388 = arith.constant 128 : index
        %parallel_loop3A_389 = tpu.vector_load %arg7[%parallel_loop3A_387, %parallel_loop3A_388] {strides = array<i32>} : memref<200x320xbf16, #tpu.memory_space<vmem>>, vector<32xbf16>,
        %parallel_loop3A_390 = arith.constant 0 : i32
        %parallel_loop3A_391 = arith.addi %parallel_loop3A_296, %parallel_loop3A_390 : i32
        %parallel_loop3A_392 = arith.constant 1 : i32
        %parallel_loop3A_393 = arith.addi %parallel_loop3A_391, %parallel_loop3A_392 : i32
        %parallel_loop3A_394 = arith.index_cast %parallel_loop3A_393 : i32 to index
        %parallel_loop3A_395 = arith.constant 128 : index
        %parallel_loop3A_396 = tpu.vector_load %arg7[%parallel_loop3A_394, %parallel_loop3A_395] {strides = array<i32>} : memref<200x320xbf16, #tpu.memory_space<vmem>>, vector<32xbf16>,
        %parallel_loop3A_397 = arith.addf %parallel_loop3A_389, %parallel_loop3A_396 : vector<32xbf16>
        %parallel_loop3A_398 = tpu.unpack_subelements %parallel_loop3A_397, 0 {pack_format = #tpu.pack_format<interleaved>} : vector<32xbf16> -> vector<16xf32>
        %parallel_loop3A_399 = tpu.unpack_subelements %parallel_loop3A_397, 1 {pack_format = #tpu.pack_format<interleaved>} : vector<32xbf16> -> vector<16xf32>
        %parallel_loop3A_400 = arith.addf %parallel_loop3A_305, %parallel_loop3A_398 : vector<16xf32>
        %parallel_loop3A_401 = arith.addf %parallel_loop3A_306, %parallel_loop3A_399 : vector<16xf32>
        %parallel_loop3A_402 = arith.constant 0 : i32
        %parallel_loop3A_403 = arith.addi %parallel_loop3A_296, %parallel_loop3A_402 : i32
        %parallel_loop3A_404 = arith.index_cast %parallel_loop3A_403 : i32 to index
        %parallel_loop3A_405 = arith.constant 160 : index
        %parallel_loop3A_406 = tpu.vector_load %arg7[%parallel_loop3A_404, %parallel_loop3A_405] {strides = array<i32>} : memref<200x320xbf16, #tpu.memory_space<vmem>>, vector<32xbf16>,
        %parallel_loop3A_407 = arith.constant 0 : i32
        %parallel_loop3A_408 = arith.addi %parallel_loop3A_296, %parallel_loop3A_407 : i32
        %parallel_loop3A_409 = arith.constant 1 : i32
        %parallel_loop3A_410 = arith.addi %parallel_loop3A_408, %parallel_loop3A_409 : i32
        %parallel_loop3A_411 = arith.index_cast %parallel_loop3A_410 : i32 to index
        %parallel_loop3A_412 = arith.constant 160 : index
        %parallel_loop3A_413 = tpu.vector_load %arg7[%parallel_loop3A_411, %parallel_loop3A_412] {strides = array<i32>} : memref<200x320xbf16, #tpu.memory_space<vmem>>, vector<32xbf16>,
        %parallel_loop3A_414 = arith.addf %parallel_loop3A_406, %parallel_loop3A_413 : vector<32xbf16>
        %parallel_loop3A_415 = tpu.unpack_subelements %parallel_loop3A_414, 0 {pack_format = #tpu.pack_format<interleaved>} : vector<32xbf16> -> vector<16xf32>
        %parallel_loop3A_416 = tpu.unpack_subelements %parallel_loop3A_414, 1 {pack_format = #tpu.pack_format<interleaved>} : vector<32xbf16> -> vector<16xf32>
        %parallel_loop3A_417 = arith.addf %parallel_loop3A_307, %parallel_loop3A_415 : vector<16xf32>
        %parallel_loop3A_418 = arith.addf %parallel_loop3A_308, %parallel_loop3A_416 : vector<16xf32>
        %parallel_loop3A_419 = arith.constant 0 : i32
        %parallel_loop3A_420 = arith.addi %parallel_loop3A_296, %parallel_loop3A_419 : i32
        %parallel_loop3A_421 = arith.index_cast %parallel_loop3A_420 : i32 to index
        %parallel_loop3A_422 = arith.constant 192 : index
        %parallel_loop3A_423 = tpu.vector_load %arg7[%parallel_loop3A_421, %parallel_loop3A_422] {strides = array<i32>} : memref<200x320xbf16, #tpu.memory_space<vmem>>, vector<32xbf16>,
        %parallel_loop3A_424 = arith.constant 0 : i32
        %parallel_loop3A_425 = arith.addi %parallel_loop3A_296, %parallel_loop3A_424 : i32
        %parallel_loop3A_426 = arith.constant 1 : i32
        %parallel_loop3A_427 = arith.addi %parallel_loop3A_425, %parallel_loop3A_426 : i32
        %parallel_loop3A_428 = arith.index_cast %parallel_loop3A_427 : i32 to index
        %parallel_loop3A_429 = arith.constant 192 : index
        %parallel_loop3A_430 = tpu.vector_load %arg7[%parallel_loop3A_428, %parallel_loop3A_429] {strides = array<i32>} : memref<200x320xbf16, #tpu.memory_space<vmem>>, vector<32xbf16>,
        %parallel_loop3A_431 = arith.addf %parallel_loop3A_423, %parallel_loop3A_430 : vector<32xbf16>
        %parallel_loop3A_432 = tpu.unpack_subelements %parallel_loop3A_431, 0 {pack_format = #tpu.pack_format<interleaved>} : vector<32xbf16> -> vector<16xf32>
        %parallel_loop3A_433 = tpu.unpack_subelements %parallel_loop3A_431, 1 {pack_format = #tpu.pack_format<interleaved>} : vector<32xbf16> -> vector<16xf32>
        %parallel_loop3A_434 = arith.addf %parallel_loop3A_309, %parallel_loop3A_432 : vector<16xf32>
        %parallel_loop3A_435 = arith.addf %parallel_loop3A_310, %parallel_loop3A_433 : vector<16xf32>
        %parallel_loop3A_436 = arith.constant 0 : i32
        %parallel_loop3A_437 = arith.addi %parallel_loop3A_296, %parallel_loop3A_436 : i32
        %parallel_loop3A_438 = arith.index_cast %parallel_loop3A_437 : i32 to index
        %parallel_loop3A_439 = arith.constant 224 : index
        %parallel_loop3A_440 = tpu.vector_load %arg7[%parallel_loop3A_438, %parallel_loop3A_439] {strides = array<i32>} : memref<200x320xbf16, #tpu.memory_space<vmem>>, vector<32xbf16>,
        %parallel_loop3A_441 = arith.constant 0 : i32
        %parallel_loop3A_442 = arith.addi %parallel_loop3A_296, %parallel_loop3A_441 : i32
        %parallel_loop3A_443 = arith.constant 1 : i32
        %parallel_loop3A_444 = arith.addi %parallel_loop3A_442, %parallel_loop3A_443 : i32
        %parallel_loop3A_445 = arith.index_cast %parallel_loop3A_444 : i32 to index
        %parallel_loop3A_446 = arith.constant 224 : index
        %parallel_loop3A_447 = tpu.vector_load %arg7[%parallel_loop3A_445, %parallel_loop3A_446] {strides = array<i32>} : memref<200x320xbf16, #tpu.memory_space<vmem>>, vector<32xbf16>,
        %parallel_loop3A_448 = arith.addf %parallel_loop3A_440, %parallel_loop3A_447 : vector<32xbf16>
        %parallel_loop3A_449 = tpu.unpack_subelements %parallel_loop3A_448, 0 {pack_format = #tpu.pack_format<interleaved>} : vector<32xbf16> -> vector<16xf32>
        %parallel_loop3A_450 = tpu.unpack_subelements %parallel_loop3A_448, 1 {pack_format = #tpu.pack_format<interleaved>} : vector<32xbf16> -> vector<16xf32>
        %parallel_loop3A_451 = arith.addf %parallel_loop3A_311, %parallel_loop3A_449 : vector<16xf32>
        %parallel_loop3A_452 = arith.addf %parallel_loop3A_312, %parallel_loop3A_450 : vector<16xf32>
        %parallel_loop3A_453 = arith.constant 0 : i32
        %parallel_loop3A_454 = arith.addi %parallel_loop3A_296, %parallel_loop3A_453 : i32
        %parallel_loop3A_455 = arith.index_cast %parallel_loop3A_454 : i32 to index
        %parallel_loop3A_456 = arith.constant 256 : index
        %parallel_loop3A_457 = tpu.vector_load %arg7[%parallel_loop3A_455, %parallel_loop3A_456] {strides = array<i32>} : memref<200x320xbf16, #tpu.memory_space<vmem>>, vector<32xbf16>,
        %parallel_loop3A_458 = arith.constant 0 : i32
        %parallel_loop3A_459 = arith.addi %parallel_loop3A_296, %parallel_loop3A_458 : i32
        %parallel_loop3A_460 = arith.constant 1 : i32
        %parallel_loop3A_461 = arith.addi %parallel_loop3A_459, %parallel_loop3A_460 : i32
        %parallel_loop3A_462 = arith.index_cast %parallel_loop3A_461 : i32 to index
        %parallel_loop3A_463 = arith.constant 256 : index
        %parallel_loop3A_464 = tpu.vector_load %arg7[%parallel_loop3A_462, %parallel_loop3A_463] {strides = array<i32>} : memref<200x320xbf16, #tpu.memory_space<vmem>>, vector<32xbf16>,
        %parallel_loop3A_465 = arith.addf %parallel_loop3A_457, %parallel_loop3A_464 : vector<32xbf16>
        %parallel_loop3A_466 = tpu.unpack_subelements %parallel_loop3A_465, 0 {pack_format = #tpu.pack_format<interleaved>} : vector<32xbf16> -> vector<16xf32>
        %parallel_loop3A_467 = tpu.unpack_subelements %parallel_loop3A_465, 1 {pack_format = #tpu.pack_format<interleaved>} : vector<32xbf16> -> vector<16xf32>
        %parallel_loop3A_468 = arith.addf %parallel_loop3A_313, %parallel_loop3A_466 : vector<16xf32>
        %parallel_loop3A_469 = arith.addf %parallel_loop3A_314, %parallel_loop3A_467 : vector<16xf32>
        %parallel_loop3A_470 = arith.constant 0 : i32
        %parallel_loop3A_471 = arith.addi %parallel_loop3A_296, %parallel_loop3A_470 : i32
        %parallel_loop3A_472 = arith.index_cast %parallel_loop3A_471 : i32 to index
        %parallel_loop3A_473 = arith.constant 288 : index
        %parallel_loop3A_474 = tpu.vector_load %arg7[%parallel_loop3A_472, %parallel_loop3A_473] {strides = array<i32>} : memref<200x320xbf16, #tpu.memory_space<vmem>>, vector<32xbf16>,
        %parallel_loop3A_475 = arith.constant 0 : i32
        %parallel_loop3A_476 = arith.addi %parallel_loop3A_296, %parallel_loop3A_475 : i32
        %parallel_loop3A_477 = arith.constant 1 : i32
        %parallel_loop3A_478 = arith.addi %parallel_loop3A_476, %parallel_loop3A_477 : i32
        %parallel_loop3A_479 = arith.index_cast %parallel_loop3A_478 : i32 to index
        %parallel_loop3A_480 = arith.constant 288 : index
        %parallel_loop3A_481 = tpu.vector_load %arg7[%parallel_loop3A_479, %parallel_loop3A_480] {strides = array<i32>} : memref<200x320xbf16, #tpu.memory_space<vmem>>, vector<32xbf16>,
        %parallel_loop3A_482 = arith.addf %parallel_loop3A_474, %parallel_loop3A_481 : vector<32xbf16>
        %parallel_loop3A_483 = tpu.unpack_subelements %parallel_loop3A_482, 0 {pack_format = #tpu.pack_format<interleaved>} : vector<32xbf16> -> vector<16xf32>
        %parallel_loop3A_484 = tpu.unpack_subelements %parallel_loop3A_482, 1 {pack_format = #tpu.pack_format<interleaved>} : vector<32xbf16> -> vector<16xf32>
        %parallel_loop3A_485 = arith.addf %parallel_loop3A_315, %parallel_loop3A_483 : vector<16xf32>
        %parallel_loop3A_486 = arith.addf %parallel_loop3A_316, %parallel_loop3A_484 : vector<16xf32>
        %parallel_loop3A_487 = arith.constant 2 : i32
        %parallel_loop3A_488 = arith.addi %parallel_loop3A_296, %parallel_loop3A_487 : i32
        %parallel_loop3A_489 = arith.index_cast %parallel_loop3A_488 : i32 to index
        %parallel_loop3A_490 = arith.constant 0 : index
        %parallel_loop3A_491 = tpu.vector_load %arg7[%parallel_loop3A_489, %parallel_loop3A_490] {strides = array<i32>} : memref<200x320xbf16, #tpu.memory_space<vmem>>, vector<32xbf16>,
        %parallel_loop3A_492 = arith.constant 2 : i32
        %parallel_loop3A_493 = arith.addi %parallel_loop3A_296, %parallel_loop3A_492 : i32
        %parallel_loop3A_494 = arith.constant 1 : i32
        %parallel_loop3A_495 = arith.addi %parallel_loop3A_493, %parallel_loop3A_494 : i32
        %parallel_loop3A_496 = arith.index_cast %parallel_loop3A_495 : i32 to index
        %parallel_loop3A_497 = arith.constant 0 : index
        %parallel_loop3A_498 = tpu.vector_load %arg7[%parallel_loop3A_496, %parallel_loop3A_497] {strides = array<i32>} : memref<200x320xbf16, #tpu.memory_space<vmem>>, vector<32xbf16>,
        %parallel_loop3A_499 = arith.addf %parallel_loop3A_491, %parallel_loop3A_498 : vector<32xbf16>
        %parallel_loop3A_500 = tpu.unpack_subelements %parallel_loop3A_499, 0 {pack_format = #tpu.pack_format<interleaved>} : vector<32xbf16> -> vector<16xf32>
        %parallel_loop3A_501 = tpu.unpack_subelements %parallel_loop3A_499, 1 {pack_format = #tpu.pack_format<interleaved>} : vector<32xbf16> -> vector<16xf32>
        %parallel_loop3A_502 = arith.addf %parallel_loop3A_332, %parallel_loop3A_500 : vector<16xf32>
        %parallel_loop3A_503 = arith.addf %parallel_loop3A_333, %parallel_loop3A_501 : vector<16xf32>
        %parallel_loop3A_504 = arith.constant 2 : i32
        %parallel_loop3A_505 = arith.addi %parallel_loop3A_296, %parallel_loop3A_504 : i32
        %parallel_loop3A_506 = arith.index_cast %parallel_loop3A_505 : i32 to index
        %parallel_loop3A_507 = arith.constant 32 : index
        %parallel_loop3A_508 = tpu.vector_load %arg7[%parallel_loop3A_506, %parallel_loop3A_507] {strides = array<i32>} : memref<200x320xbf16, #tpu.memory_space<vmem>>, vector<32xbf16>,
        %parallel_loop3A_509 = arith.constant 2 : i32
        %parallel_loop3A_510 = arith.addi %parallel_loop3A_296, %parallel_loop3A_509 : i32
        %parallel_loop3A_511 = arith.constant 1 : i32
        %parallel_loop3A_512 = arith.addi %parallel_loop3A_510, %parallel_loop3A_511 : i32
        %parallel_loop3A_513 = arith.index_cast %parallel_loop3A_512 : i32 to index
        %parallel_loop3A_514 = arith.constant 32 : index
        %parallel_loop3A_515 = tpu.vector_load %arg7[%parallel_loop3A_513, %parallel_loop3A_514] {strides = array<i32>} : memref<200x320xbf16, #tpu.memory_space<vmem>>, vector<32xbf16>,
        %parallel_loop3A_516 = arith.addf %parallel_loop3A_508, %parallel_loop3A_515 : vector<32xbf16>
        %parallel_loop3A_517 = tpu.unpack_subelements %parallel_loop3A_516, 0 {pack_format = #tpu.pack_format<interleaved>} : vector<32xbf16> -> vector<16xf32>
        %parallel_loop3A_518 = tpu.unpack_subelements %parallel_loop3A_516, 1 {pack_format = #tpu.pack_format<interleaved>} : vector<32xbf16> -> vector<16xf32>
        %parallel_loop3A_519 = arith.addf %parallel_loop3A_349, %parallel_loop3A_517 : vector<16xf32>
        %parallel_loop3A_520 = arith.addf %parallel_loop3A_350, %parallel_loop3A_518 : vector<16xf32>
        %parallel_loop3A_521 = arith.constant 2 : i32
        %parallel_loop3A_522 = arith.addi %parallel_loop3A_296, %parallel_loop3A_521 : i32
        %parallel_loop3A_523 = arith.index_cast %parallel_loop3A_522 : i32 to index
        %parallel_loop3A_524 = arith.constant 64 : index
        %parallel_loop3A_525 = tpu.vector_load %arg7[%parallel_loop3A_523, %parallel_loop3A_524] {strides = array<i32>} : memref<200x320xbf16, #tpu.memory_space<vmem>>, vector<32xbf16>,
        %parallel_loop3A_526 = arith.constant 2 : i32
        %parallel_loop3A_527 = arith.addi %parallel_loop3A_296, %parallel_loop3A_526 : i32
        %parallel_loop3A_528 = arith.constant 1 : i32
        %parallel_loop3A_529 = arith.addi %parallel_loop3A_527, %parallel_loop3A_528 : i32
        %parallel_loop3A_530 = arith.index_cast %parallel_loop3A_529 : i32 to index
        %parallel_loop3A_531 = arith.constant 64 : index
        %parallel_loop3A_532 = tpu.vector_load %arg7[%parallel_loop3A_530, %parallel_loop3A_531] {strides = array<i32>} : memref<200x320xbf16, #tpu.memory_space<vmem>>, vector<32xbf16>,
        %parallel_loop3A_533 = arith.addf %parallel_loop3A_525, %parallel_loop3A_532 : vector<32xbf16>
        %parallel_loop3A_534 = tpu.unpack_subelements %parallel_loop3A_533, 0 {pack_format = #tpu.pack_format<interleaved>} : vector<32xbf16> -> vector<16xf32>
        %parallel_loop3A_535 = tpu.unpack_subelements %parallel_loop3A_533, 1 {pack_format = #tpu.pack_format<interleaved>} : vector<32xbf16> -> vector<16xf32>
        %parallel_loop3A_536 = arith.addf %parallel_loop3A_366, %parallel_loop3A_534 : vector<16xf32>
        %parallel_loop3A_537 = arith.addf %parallel_loop3A_367, %parallel_loop3A_535 : vector<16xf32>
        %parallel_loop3A_538 = arith.constant 2 : i32
        %parallel_loop3A_539 = arith.addi %parallel_loop3A_296, %parallel_loop3A_538 : i32
        %parallel_loop3A_540 = arith.index_cast %parallel_loop3A_539 : i32 to index
        %parallel_loop3A_541 = arith.constant 96 : index
        %parallel_loop3A_542 = tpu.vector_load %arg7[%parallel_loop3A_540, %parallel_loop3A_541] {strides = array<i32>} : memref<200x320xbf16, #tpu.memory_space<vmem>>, vector<32xbf16>,
        %parallel_loop3A_543 = arith.constant 2 : i32
        %parallel_loop3A_544 = arith.addi %parallel_loop3A_296, %parallel_loop3A_543 : i32
        %parallel_loop3A_545 = arith.constant 1 : i32
        %parallel_loop3A_546 = arith.addi %parallel_loop3A_544, %parallel_loop3A_545 : i32
        %parallel_loop3A_547 = arith.index_cast %parallel_loop3A_546 : i32 to index
        %parallel_loop3A_548 = arith.constant 96 : index
        %parallel_loop3A_549 = tpu.vector_load %arg7[%parallel_loop3A_547, %parallel_loop3A_548] {strides = array<i32>} : memref<200x320xbf16, #tpu.memory_space<vmem>>, vector<32xbf16>,
        %parallel_loop3A_550 = arith.addf %parallel_loop3A_542, %parallel_loop3A_549 : vector<32xbf16>
        %parallel_loop3A_551 = tpu.unpack_subelements %parallel_loop3A_550, 0 {pack_format = #tpu.pack_format<interleaved>} : vector<32xbf16> -> vector<16xf32>
        %parallel_loop3A_552 = tpu.unpack_subelements %parallel_loop3A_550, 1 {pack_format = #tpu.pack_format<interleaved>} : vector<32xbf16> -> vector<16xf32>
        %parallel_loop3A_553 = arith.addf %parallel_loop3A_383, %parallel_loop3A_551 : vector<16xf32>
        %parallel_loop3A_554 = arith.addf %parallel_loop3A_384, %parallel_loop3A_552 : vector<16xf32>
        %parallel_loop3A_555 = arith.constant 2 : i32
        %parallel_loop3A_556 = arith.addi %parallel_loop3A_296, %parallel_loop3A_555 : i32
        %parallel_loop3A_557 = arith.index_cast %parallel_loop3A_556 : i32 to index
        %parallel_loop3A_558 = arith.constant 128 : index
        %parallel_loop3A_559 = tpu.vector_load %arg7[%parallel_loop3A_557, %parallel_loop3A_558] {strides = array<i32>} : memref<200x320xbf16, #tpu.memory_space<vmem>>, vector<32xbf16>,
        %parallel_loop3A_560 = arith.constant 2 : i32
        %parallel_loop3A_561 = arith.addi %parallel_loop3A_296, %parallel_loop3A_560 : i32
        %parallel_loop3A_562 = arith.constant 1 : i32
        %parallel_loop3A_563 = arith.addi %parallel_loop3A_561, %parallel_loop3A_562 : i32
        %parallel_loop3A_564 = arith.index_cast %parallel_loop3A_563 : i32 to index
        %parallel_loop3A_565 = arith.constant 128 : index
        %parallel_loop3A_566 = tpu.vector_load %arg7[%parallel_loop3A_564, %parallel_loop3A_565] {strides = array<i32>} : memref<200x320xbf16, #tpu.memory_space<vmem>>, vector<32xbf16>,
        %parallel_loop3A_567 = arith.addf %parallel_loop3A_559, %parallel_loop3A_566 : vector<32xbf16>
        %parallel_loop3A_568 = tpu.unpack_subelements %parallel_loop3A_567, 0 {pack_format = #tpu.pack_format<interleaved>} : vector<32xbf16> -> vector<16xf32>
        %parallel_loop3A_569 = tpu.unpack_subelements %parallel_loop3A_567, 1 {pack_format = #tpu.pack_format<interleaved>} : vector<32xbf16> -> vector<16xf32>
        %parallel_loop3A_570 = arith.addf %parallel_loop3A_400, %parallel_loop3A_568 : vector<16xf32>
        %parallel_loop3A_571 = arith.addf %parallel_loop3A_401, %parallel_loop3A_569 : vector<16xf32>
        %parallel_loop3A_572 = arith.constant 2 : i32
        %parallel_loop3A_573 = arith.addi %parallel_loop3A_296, %parallel_loop3A_572 : i32
        %parallel_loop3A_574 = arith.index_cast %parallel_loop3A_573 : i32 to index
        %parallel_loop3A_575 = arith.constant 160 : index
        %parallel_loop3A_576 = tpu.vector_load %arg7[%parallel_loop3A_574, %parallel_loop3A_575] {strides = array<i32>} : memref<200x320xbf16, #tpu.memory_space<vmem>>, vector<32xbf16>,
        %parallel_loop3A_577 = arith.constant 2 : i32
        %parallel_loop3A_578 = arith.addi %parallel_loop3A_296, %parallel_loop3A_577 : i32
        %parallel_loop3A_579 = arith.constant 1 : i32
        %parallel_loop3A_580 = arith.addi %parallel_loop3A_578, %parallel_loop3A_579 : i32
        %parallel_loop3A_581 = arith.index_cast %parallel_loop3A_580 : i32 to index
        %parallel_loop3A_582 = arith.constant 160 : index
        %parallel_loop3A_583 = tpu.vector_load %arg7[%parallel_loop3A_581, %parallel_loop3A_582] {strides = array<i32>} : memref<200x320xbf16, #tpu.memory_space<vmem>>, vector<32xbf16>,
        %parallel_loop3A_584 = arith.addf %parallel_loop3A_576, %parallel_loop3A_583 : vector<32xbf16>
        %parallel_loop3A_585 = tpu.unpack_subelements %parallel_loop3A_584, 0 {pack_format = #tpu.pack_format<interleaved>} : vector<32xbf16> -> vector<16xf32>
        %parallel_loop3A_586 = tpu.unpack_subelements %parallel_loop3A_584, 1 {pack_format = #tpu.pack_format<interleaved>} : vector<32xbf16> -> vector<16xf32>
        %parallel_loop3A_587 = arith.addf %parallel_loop3A_417, %parallel_loop3A_585 : vector<16xf32>
        %parallel_loop3A_588 = arith.addf %parallel_loop3A_418, %parallel_loop3A_586 : vector<16xf32>
        %parallel_loop3A_589 = arith.constant 2 : i32
        %parallel_loop3A_590 = arith.addi %parallel_loop3A_296, %parallel_loop3A_589 : i32
        %parallel_loop3A_591 = arith.index_cast %parallel_loop3A_590 : i32 to index
        %parallel_loop3A_592 = arith.constant 192 : index
        %parallel_loop3A_593 = tpu.vector_load %arg7[%parallel_loop3A_591, %parallel_loop3A_592] {strides = array<i32>} : memref<200x320xbf16, #tpu.memory_space<vmem>>, vector<32xbf16>,
        %parallel_loop3A_594 = arith.constant 2 : i32
        %parallel_loop3A_595 = arith.addi %parallel_loop3A_296, %parallel_loop3A_594 : i32
        %parallel_loop3A_596 = arith.constant 1 : i32
        %parallel_loop3A_597 = arith.addi %parallel_loop3A_595, %parallel_loop3A_596 : i32
        %parallel_loop3A_598 = arith.index_cast %parallel_loop3A_597 : i32 to index
        %parallel_loop3A_599 = arith.constant 192 : index
        %parallel_loop3A_600 = tpu.vector_load %arg7[%parallel_loop3A_598, %parallel_loop3A_599] {strides = array<i32>} : memref<200x320xbf16, #tpu.memory_space<vmem>>, vector<32xbf16>,
        %parallel_loop3A_601 = arith.addf %parallel_loop3A_593, %parallel_loop3A_600 : vector<32xbf16>
        %parallel_loop3A_602 = tpu.unpack_subelements %parallel_loop3A_601, 0 {pack_format = #tpu.pack_format<interleaved>} : vector<32xbf16> -> vector<16xf32>
        %parallel_loop3A_603 = tpu.unpack_subelements %parallel_loop3A_601, 1 {pack_format = #tpu.pack_format<interleaved>} : vector<32xbf16> -> vector<16xf32>
        %parallel_loop3A_604 = arith.addf %parallel_loop3A_434, %parallel_loop3A_602 : vector<16xf32>
        %parallel_loop3A_605 = arith.addf %parallel_loop3A_435, %parallel_loop3A_603 : vector<16xf32>
        %parallel_loop3A_606 = arith.constant 2 : i32
        %parallel_loop3A_607 = arith.addi %parallel_loop3A_296, %parallel_loop3A_606 : i32
        %parallel_loop3A_608 = arith.index_cast %parallel_loop3A_607 : i32 to index
        %parallel_loop3A_609 = arith.constant 224 : index
        %parallel_loop3A_610 = tpu.vector_load %arg7[%parallel_loop3A_608, %parallel_loop3A_609] {strides = array<i32>} : memref<200x320xbf16, #tpu.memory_space<vmem>>, vector<32xbf16>,
        %parallel_loop3A_611 = arith.constant 2 : i32
        %parallel_loop3A_612 = arith.addi %parallel_loop3A_296, %parallel_loop3A_611 : i32
        %parallel_loop3A_613 = arith.constant 1 : i32
        %parallel_loop3A_614 = arith.addi %parallel_loop3A_612, %parallel_loop3A_613 : i32
        %parallel_loop3A_615 = arith.index_cast %parallel_loop3A_614 : i32 to index
        %parallel_loop3A_616 = arith.constant 224 : index
        %parallel_loop3A_617 = tpu.vector_load %arg7[%parallel_loop3A_615, %parallel_loop3A_616] {strides = array<i32>} : memref<200x320xbf16, #tpu.memory_space<vmem>>, vector<32xbf16>,
        %parallel_loop3A_618 = arith.addf %parallel_loop3A_610, %parallel_loop3A_617 : vector<32xbf16>
        %parallel_loop3A_619 = tpu.unpack_subelements %parallel_loop3A_618, 0 {pack_format = #tpu.pack_format<interleaved>} : vector<32xbf16> -> vector<16xf32>
        %parallel_loop3A_620 = tpu.unpack_subelements %parallel_loop3A_618, 1 {pack_format = #tpu.pack_format<interleaved>} : vector<32xbf16> -> vector<16xf32>
        %parallel_loop3A_621 = arith.addf %parallel_loop3A_451, %parallel_loop3A_619 : vector<16xf32>
        %parallel_loop3A_622 = arith.addf %parallel_loop3A_452, %parallel_loop3A_620 : vector<16xf32>
        %parallel_loop3A_623 = arith.constant 2 : i32
        %parallel_loop3A_624 = arith.addi %parallel_loop3A_296, %parallel_loop3A_623 : i32
        %parallel_loop3A_625 = arith.index_cast %parallel_loop3A_624 : i32 to index
        %parallel_loop3A_626 = arith.constant 256 : index
        %parallel_loop3A_627 = tpu.vector_load %arg7[%parallel_loop3A_625, %parallel_loop3A_626] {strides = array<i32>} : memref<200x320xbf16, #tpu.memory_space<vmem>>, vector<32xbf16>,
        %parallel_loop3A_628 = arith.constant 2 : i32
        %parallel_loop3A_629 = arith.addi %parallel_loop3A_296, %parallel_loop3A_628 : i32
        %parallel_loop3A_630 = arith.constant 1 : i32
        %parallel_loop3A_631 = arith.addi %parallel_loop3A_629, %parallel_loop3A_630 : i32
        %parallel_loop3A_632 = arith.index_cast %parallel_loop3A_631 : i32 to index
        %parallel_loop3A_633 = arith.constant 256 : index
        %parallel_loop3A_634 = tpu.vector_load %arg7[%parallel_loop3A_632, %parallel_loop3A_633] {strides = array<i32>} : memref<200x320xbf16, #tpu.memory_space<vmem>>, vector<32xbf16>,
        %parallel_loop3A_635 = arith.addf %parallel_loop3A_627, %parallel_loop3A_634 : vector<32xbf16>
        %parallel_loop3A_636 = tpu.unpack_subelements %parallel_loop3A_635, 0 {pack_format = #tpu.pack_format<interleaved>} : vector<32xbf16> -> vector<16xf32>
        %parallel_loop3A_637 = tpu.unpack_subelements %parallel_loop3A_635, 1 {pack_format = #tpu.pack_format<interleaved>} : vector<32xbf16> -> vector<16xf32>
        %parallel_loop3A_638 = arith.addf %parallel_loop3A_468, %parallel_loop3A_636 : vector<16xf32>
        %parallel_loop3A_639 = arith.addf %parallel_loop3A_469, %parallel_loop3A_637 : vector<16xf32>
        %parallel_loop3A_640 = arith.constant 2 : i32
        %parallel_loop3A_641 = arith.addi %parallel_loop3A_296, %parallel_loop3A_640 : i32
        %parallel_loop3A_642 = arith.index_cast %parallel_loop3A_641 : i32 to index
        %parallel_loop3A_643 = arith.constant 288 : index
        %parallel_loop3A_644 = tpu.vector_load %arg7[%parallel_loop3A_642, %parallel_loop3A_643] {strides = array<i32>} : memref<200x320xbf16, #tpu.memory_space<vmem>>, vector<32xbf16>,
        %parallel_loop3A_645 = arith.constant 2 : i32
        %parallel_loop3A_646 = arith.addi %parallel_loop3A_296, %parallel_loop3A_645 : i32
        %parallel_loop3A_647 = arith.constant 1 : i32
        %parallel_loop3A_648 = arith.addi %parallel_loop3A_646, %parallel_loop3A_647 : i32
        %parallel_loop3A_649 = arith.index_cast %parallel_loop3A_648 : i32 to index
        %parallel_loop3A_650 = arith.constant 288 : index
        %parallel_loop3A_651 = tpu.vector_load %arg7[%parallel_loop3A_649, %parallel_loop3A_650] {strides = array<i32>} : memref<200x320xbf16, #tpu.memory_space<vmem>>, vector<32xbf16>,
        %parallel_loop3A_652 = arith.addf %parallel_loop3A_644, %parallel_loop3A_651 : vector<32xbf16>
        %parallel_loop3A_653 = tpu.unpack_subelements %parallel_loop3A_652, 0 {pack_format = #tpu.pack_format<interleaved>} : vector<32xbf16> -> vector<16xf32>
        %parallel_loop3A_654 = tpu.unpack_subelements %parallel_loop3A_652, 1 {pack_format = #tpu.pack_format<interleaved>} : vector<32xbf16> -> vector<16xf32>
        %parallel_loop3A_655 = arith.addf %parallel_loop3A_485, %parallel_loop3A_653 : vector<16xf32>
        %parallel_loop3A_656 = arith.addf %parallel_loop3A_486, %parallel_loop3A_654 : vector<16xf32>
        scf.yield %parallel_loop3A_502, %parallel_loop3A_503, %parallel_loop3A_519, %parallel_loop3A_520, %parallel_loop3A_536, %parallel_loop3A_537, %parallel_loop3A_553, %parallel_loop3A_554, %parallel_loop3A_570, %parallel_loop3A_571, %parallel_loop3A_587, %parallel_loop3A_588, %parallel_loop3A_604, %parallel_loop3A_605, %parallel_loop3A_621, %parallel_loop3A_622, %parallel_loop3A_638, %parallel_loop3A_639, %parallel_loop3A_655, %parallel_loop3A_656 : vector<16xf32>, vector<16xf32>, vector<16xf32>, vector<16xf32>, vector<16xf32>, vector<16xf32>, vector<16xf32>, vector<16xf32>, vector<16xf32>, vector<16xf32>, vector<16xf32>, vector<16xf32>, vector<16xf32>, vector<16xf32>, vector<16xf32>, vector<16xf32>, vector<16xf32>, vector<16xf32>, vector<16xf32>, vector<16xf32>
      } {sc.loop_unroll_factor = 1 : i64, sc.parallel_access}
      %ge3A = arith.constant 2 : i32
      %ge3A_116 = arith.cmpi sge, %add3A_46, %ge3A : i32
      %convert_element_type3A_117 = arith.extui %ge3A_116 : i1 to i32
      %cond3A_118 = arith.constant 0 : i32
      %cond3A_119 = arith.cmpi ne, %convert_element_type3A_117, %cond3A_118 : i32
      scf.if %cond3A_119 {
        %dma_wait3A_296 = arith.constant 0 : i32
        %dma_wait3A_297 = tpu.memref_slice %arg4[%mul3A_2, %dma_wait3A_296] : memref<16384x320xf32, #tpu.memory_space<hbm>> -> memref<1x320xf32, #tpu.memory_space<hbm>>
        %dma_wait3A_298 = tpu.memref_squeeze %dma_wait3A_297 : memref<1x320xf32, #tpu.memory_space<hbm>> -> memref<320xf32, #tpu.memory_space<hbm>>
        %dma_wait3A_299 = arith.constant 0 : i32
        %dma_wait3A_300 = tpu.memref_slice %arg4[%mul3A_2, %dma_wait3A_299] : memref<16384x320xf32, #tpu.memory_space<hbm>> -> memref<1x320xf32, #tpu.memory_space<hbm>>
        %dma_wait3A_301 = tpu.memref_squeeze %dma_wait3A_300 : memref<1x320xf32, #tpu.memory_space<hbm>> -> memref<320xf32, #tpu.memory_space<hbm>>
        tpu.wait_dma2 semaphore(%arg13 : memref<!tpu.dma_semaphore, #tpu.memory_space<semaphore_mem>>) src(%arg9 : memref<320xf32, #tpu.memory_space<vmem>>) dst(%dma_wait3A_301 : memref<320xf32, #tpu.memory_space<hbm>>)
      } else {
      }
      %swap3A = arith.constant 0 : index
      %swap3A_120 = tpu.vector_load %arg9[%swap3A] {strides = array<i32>} : memref<320xf32, #tpu.memory_space<vmem>>, vector<16xf32>,
      tpu.vector_store %arg9[%swap3A], %parallel_loop3A_115#0 {strides = array<i32>} : memref<320xf32, #tpu.memory_space<vmem>>, vector<16xf32>,
      %swap3A_121 = arith.constant 16 : index
      %swap3A_122 = tpu.vector_load %arg9[%swap3A_121] {strides = array<i32>} : memref<320xf32, #tpu.memory_space<vmem>>, vector<16xf32>,
      tpu.vector_store %arg9[%swap3A_121], %parallel_loop3A_115#1 {strides = array<i32>} : memref<320xf32, #tpu.memory_space<vmem>>, vector<16xf32>,
      %swap3A_123 = arith.constant 32 : index
      %swap3A_124 = tpu.vector_load %arg9[%swap3A_123] {strides = array<i32>} : memref<320xf32, #tpu.memory_space<vmem>>, vector<16xf32>,
      tpu.vector_store %arg9[%swap3A_123], %parallel_loop3A_115#2 {strides = array<i32>} : memref<320xf32, #tpu.memory_space<vmem>>, vector<16xf32>,
      %swap3A_125 = arith.constant 48 : index
      %swap3A_126 = tpu.vector_load %arg9[%swap3A_125] {strides = array<i32>} : memref<320xf32, #tpu.memory_space<vmem>>, vector<16xf32>,
      tpu.vector_store %arg9[%swap3A_125], %parallel_loop3A_115#3 {strides = array<i32>} : memref<320xf32, #tpu.memory_space<vmem>>, vector<16xf32>,
      %swap3A_127 = arith.constant 64 : index
      %swap3A_128 = tpu.vector_load %arg9[%swap3A_127] {strides = array<i32>} : memref<320xf32, #tpu.memory_space<vmem>>, vector<16xf32>,
      tpu.vector_store %arg9[%swap3A_127], %parallel_loop3A_115#4 {strides = array<i32>} : memref<320xf32, #tpu.memory_space<vmem>>, vector<16xf32>,
      %swap3A_129 = arith.constant 80 : index
      %swap3A_130 = tpu.vector_load %arg9[%swap3A_129] {strides = array<i32>} : memref<320xf32, #tpu.memory_space<vmem>>, vector<16xf32>,
      tpu.vector_store %arg9[%swap3A_129], %parallel_loop3A_115#5 {strides = array<i32>} : memref<320xf32, #tpu.memory_space<vmem>>, vector<16xf32>,
      %swap3A_131 = arith.constant 96 : index
      %swap3A_132 = tpu.vector_load %arg9[%swap3A_131] {strides = array<i32>} : memref<320xf32, #tpu.memory_space<vmem>>, vector<16xf32>,
      tpu.vector_store %arg9[%swap3A_131], %parallel_loop3A_115#6 {strides = array<i32>} : memref<320xf32, #tpu.memory_space<vmem>>, vector<16xf32>,
      %swap3A_133 = arith.constant 112 : index
      %swap3A_134 = tpu.vector_load %arg9[%swap3A_133] {strides = array<i32>} : memref<320xf32, #tpu.memory_space<vmem>>, vector<16xf32>,
      tpu.vector_store %arg9[%swap3A_133], %parallel_loop3A_115#7 {strides = array<i32>} : memref<320xf32, #tpu.memory_space<vmem>>, vector<16xf32>,
      %swap3A_135 = arith.constant 128 : index
      %swap3A_136 = tpu.vector_load %arg9[%swap3A_135] {strides = array<i32>} : memref<320xf32, #tpu.memory_space<vmem>>, vector<16xf32>,
      tpu.vector_store %arg9[%swap3A_135], %parallel_loop3A_115#8 {strides = array<i32>} : memref<320xf32, #tpu.memory_space<vmem>>, vector<16xf32>,
      %swap3A_137 = arith.constant 144 : index
      %swap3A_138 = tpu.vector_load %arg9[%swap3A_137] {strides = array<i32>} : memref<320xf32, #tpu.memory_space<vmem>>, vector<16xf32>,
      tpu.vector_store %arg9[%swap3A_137], %parallel_loop3A_115#9 {strides = array<i32>} : memref<320xf32, #tpu.memory_space<vmem>>, vector<16xf32>,
      %swap3A_139 = arith.constant 160 : index
      %swap3A_140 = tpu.vector_load %arg9[%swap3A_139] {strides = array<i32>} : memref<320xf32, #tpu.memory_space<vmem>>, vector<16xf32>,
      tpu.vector_store %arg9[%swap3A_139], %parallel_loop3A_115#10 {strides = array<i32>} : memref<320xf32, #tpu.memory_space<vmem>>, vector<16xf32>,
      %swap3A_141 = arith.constant 176 : index
      %swap3A_142 = tpu.vector_load %arg9[%swap3A_141] {strides = array<i32>} : memref<320xf32, #tpu.memory_space<vmem>>, vector<16xf32>,
      tpu.vector_store %arg9[%swap3A_141], %parallel_loop3A_115#11 {strides = array<i32>} : memref<320xf32, #tpu.memory_space<vmem>>, vector<16xf32>,
      %swap3A_143 = arith.constant 192 : index
      %swap3A_144 = tpu.vector_load %arg9[%swap3A_143] {strides = array<i32>} : memref<320xf32, #tpu.memory_space<vmem>>, vector<16xf32>,
      tpu.vector_store %arg9[%swap3A_143], %parallel_loop3A_115#12 {strides = array<i32>} : memref<320xf32, #tpu.memory_space<vmem>>, vector<16xf32>,
      %swap3A_145 = arith.constant 208 : index
      %swap3A_146 = tpu.vector_load %arg9[%swap3A_145] {strides = array<i32>} : memref<320xf32, #tpu.memory_space<vmem>>, vector<16xf32>,
      tpu.vector_store %arg9[%swap3A_145], %parallel_loop3A_115#13 {strides = array<i32>} : memref<320xf32, #tpu.memory_space<vmem>>, vector<16xf32>,
      %swap3A_147 = arith.constant 224 : index
      %swap3A_148 = tpu.vector_load %arg9[%swap3A_147] {strides = array<i32>} : memref<320xf32, #tpu.memory_space<vmem>>, vector<16xf32>,
      tpu.vector_store %arg9[%swap3A_147], %parallel_loop3A_115#14 {strides = array<i32>} : memref<320xf32, #tpu.memory_space<vmem>>, vector<16xf32>,
      %swap3A_149 = arith.constant 240 : index
      %swap3A_150 = tpu.vector_load %arg9[%swap3A_149] {strides = array<i32>} : memref<320xf32, #tpu.memory_space<vmem>>, vector<16xf32>,
      tpu.vector_store %arg9[%swap3A_149], %parallel_loop3A_115#15 {strides = array<i32>} : memref<320xf32, #tpu.memory_space<vmem>>, vector<16xf32>,
      %swap3A_151 = arith.constant 256 : index
      %swap3A_152 = tpu.vector_load %arg9[%swap3A_151] {strides = array<i32>} : memref<320xf32, #tpu.memory_space<vmem>>, vector<16xf32>,
      tpu.vector_store %arg9[%swap3A_151], %parallel_loop3A_115#16 {strides = array<i32>} : memref<320xf32, #tpu.memory_space<vmem>>, vector<16xf32>,
      %swap3A_153 = arith.constant 272 : index
      %swap3A_154 = tpu.vector_load %arg9[%swap3A_153] {strides = array<i32>} : memref<320xf32, #tpu.memory_space<vmem>>, vector<16xf32>,
      tpu.vector_store %arg9[%swap3A_153], %parallel_loop3A_115#17 {strides = array<i32>} : memref<320xf32, #tpu.memory_space<vmem>>, vector<16xf32>,
      %swap3A_155 = arith.constant 288 : index
      %swap3A_156 = tpu.vector_load %arg9[%swap3A_155] {strides = array<i32>} : memref<320xf32, #tpu.memory_space<vmem>>, vector<16xf32>,
      tpu.vector_store %arg9[%swap3A_155], %parallel_loop3A_115#18 {strides = array<i32>} : memref<320xf32, #tpu.memory_space<vmem>>, vector<16xf32>,
      %swap3A_157 = arith.constant 304 : index
      %swap3A_158 = tpu.vector_load %arg9[%swap3A_157] {strides = array<i32>} : memref<320xf32, #tpu.memory_space<vmem>>, vector<16xf32>,
      tpu.vector_store %arg9[%swap3A_157], %parallel_loop3A_115#19 {strides = array<i32>} : memref<320xf32, #tpu.memory_space<vmem>>, vector<16xf32>,
      %add3A_159 = arith.addi %mul3A_2, %add3A_46 : i32
      %dma_start3A_160 = arith.constant 0 : i32
      %dma_start3A_161 = tpu.memref_slice %arg4[%add3A_159, %dma_start3A_160] : memref<16384x320xf32, #tpu.memory_space<hbm>> -> memref<1x320xf32, #tpu.memory_space<hbm>>
      %dma_start3A_162 = tpu.memref_squeeze %dma_start3A_161 : memref<1x320xf32, #tpu.memory_space<hbm>> -> memref<320xf32, #tpu.memory_space<hbm>>
      %dma_start3A_163 = arith.constant 0 : i32
      %dma_start3A_164 = tpu.memref_slice %arg4[%add3A_159, %dma_start3A_163] : memref<16384x320xf32, #tpu.memory_space<hbm>> -> memref<1x320xf32, #tpu.memory_space<hbm>>
      %dma_start3A_165 = tpu.memref_squeeze %dma_start3A_164 : memref<1x320xf32, #tpu.memory_space<hbm>> -> memref<320xf32, #tpu.memory_space<hbm>>
      tpu.enqueue_dma source(%arg9 : memref<320xf32, #tpu.memory_space<vmem>>) target(%dma_start3A_165 : memref<320xf32, #tpu.memory_space<hbm>>) target_semaphore(%arg13 : memref<!tpu.dma_semaphore, #tpu.memory_space<semaphore_mem>>)
      %mul3A_166 = arith.constant 2 : i32
      %mul3A_167 = arith.muli %mul3A_166, %scan3A_42 : i32
      %add3A_168 = arith.constant 1 : i32
      %add3A_169 = arith.addi %mul3A_167, %add3A_168 : i32
      %add3A_170 = arith.constant 1 : i32
      %add3A_171 = arith.addi %add3A_169, %add3A_170 : i32
      %lt3A_172 = arith.constant 512 : i32
      %lt3A_173 = arith.cmpi slt, %add3A_171, %lt3A_172 : i32
      %convert_element_type3A_174 = arith.extui %lt3A_173 : i1 to i32
      %cond3A_175 = arith.constant 0 : i32
      %cond3A_176 = arith.cmpi ne, %convert_element_type3A_174, %cond3A_175 : i32
      scf.if %cond3A_176 {
        %dma_wait3A_296 = arith.constant 0 : i32
        %dma_wait3A_297 = tpu.memref_slice %arg2[%mul3A_2, %dma_wait3A_296] : memref<16384x200xi32, #tpu.memory_space<hbm>> -> memref<1x200xi32, #tpu.memory_space<hbm>>
        %dma_wait3A_298 = tpu.memref_squeeze %dma_wait3A_297 : memref<1x200xi32, #tpu.memory_space<hbm>> -> memref<200xi32, #tpu.memory_space<hbm>>
        %dma_wait3A_299 = arith.constant 0 : i32
        %dma_wait3A_300 = tpu.memref_slice %arg2[%mul3A_2, %dma_wait3A_299] : memref<16384x200xi32, #tpu.memory_space<hbm>> -> memref<1x200xi32, #tpu.memory_space<hbm>>
        %dma_wait3A_301 = tpu.memref_squeeze %dma_wait3A_300 : memref<1x200xi32, #tpu.memory_space<hbm>> -> memref<200xi32, #tpu.memory_space<hbm>>
        tpu.wait_dma2 semaphore(%arg12 : memref<!tpu.dma_semaphore, #tpu.memory_space<semaphore_mem>>) src(%dma_wait3A_301 : memref<200xi32, #tpu.memory_space<hbm>>) dst(%arg5 : memref<200xi32, #tpu.memory_space<vmem>>)
        %dma_start3A_302 = arith.constant 0 : i32
        %dma_start3A_303 = arith.constant 0 : i32
        %dma_start3A_304 = tpu.memref_slice %arg7[%dma_start3A_302, %dma_start3A_303] : memref<200x320xbf16, #tpu.memory_space<vmem>> -> memref<104x320xbf16, #tpu.memory_space<vmem>>
        %dma_start3A_305 = arith.constant 0 : i32
        %dma_start3A_306 = tpu.memref_slice %arg5[%dma_start3A_305] : memref<200xi32, #tpu.memory_space<vmem>> -> memref<104xi32, #tpu.memory_space<vmem>>
        %dma_start3A_307 = arith.constant 0 : i32
        %dma_start3A_308 = arith.constant 0 : i32
        %dma_start3A_309 = tpu.memref_slice %arg3[%dma_start3A_307, %dma_start3A_308] : memref<95816x320xbf16, #tpu.memory_space<hbm>> -> memref<95816x320xbf16, #tpu.memory_space<hbm>>
        tpu.enqueue_indirect_dma source(%dma_start3A_309 : memref<95816x320xbf16, #tpu.memory_space<hbm>>) target(%dma_start3A_304 : memref<104x320xbf16, #tpu.memory_space<vmem>>) offsets(%dma_start3A_306 : memref<104xi32, #tpu.memory_space<vmem>>) semaphore(%arg11 : memref<!tpu.dma_semaphore, #tpu.memory_space<semaphore_mem>>)
        %dma_start3A_310 = arith.constant 104 : i32
        %dma_start3A_311 = arith.constant 0 : i32
        %dma_start3A_312 = tpu.memref_slice %arg7[%dma_start3A_310, %dma_start3A_311] : memref<200x320xbf16, #tpu.memory_space<vmem>> -> memref<96x320xbf16, #tpu.memory_space<vmem>>
        %dma_start3A_313 = arith.constant 104 : i32
        %dma_start3A_314 = tpu.memref_slice %arg5[%dma_start3A_313] : memref<200xi32, #tpu.memory_space<vmem>> -> memref<96xi32, #tpu.memory_space<vmem>>
        %dma_start3A_315 = arith.constant 0 : i32
        %dma_start3A_316 = arith.constant 0 : i32
        %dma_start3A_317 = tpu.memref_slice %arg3[%dma_start3A_315, %dma_start3A_316] : memref<95816x320xbf16, #tpu.memory_space<hbm>> -> memref<95816x320xbf16, #tpu.memory_space<hbm>>
        tpu.enqueue_indirect_dma source(%dma_start3A_317 : memref<95816x320xbf16, #tpu.memory_space<hbm>>) target(%dma_start3A_312 : memref<96x320xbf16, #tpu.memory_space<vmem>>) offsets(%dma_start3A_314 : memref<96xi32, #tpu.memory_space<vmem>>) semaphore(%arg11 : memref<!tpu.dma_semaphore, #tpu.memory_space<semaphore_mem>>)
      } else {
      }
      %dma_wait3A_177 = arith.constant 0 : i32
      %dma_wait3A_178 = arith.constant 0 : i32
      %dma_wait3A_179 = tpu.memref_slice %arg8[%dma_wait3A_177, %dma_wait3A_178] : memref<200x320xbf16, #tpu.memory_space<vmem>> -> memref<104x320xbf16, #tpu.memory_space<vmem>>
      %dma_wait3A_180 = arith.constant 0 : i32
      %dma_wait3A_181 = tpu.memref_slice %arg6[%dma_wait3A_180] : memref<200xi32, #tpu.memory_space<vmem>> -> memref<104xi32, #tpu.memory_space<vmem>>
      %dma_wait3A_182 = arith.constant 0 : i32
      %dma_wait3A_183 = arith.constant 0 : i32
      %dma_wait3A_184 = tpu.memref_slice %arg3[%dma_wait3A_182, %dma_wait3A_183] : memref<95816x320xbf16, #tpu.memory_space<hbm>> -> memref<95816x320xbf16, #tpu.memory_space<hbm>>
      tpu.wait_indirect_dma semaphore(%arg11 : memref<!tpu.dma_semaphore, #tpu.memory_space<semaphore_mem>>) src(%dma_wait3A_184 : memref<95816x320xbf16, #tpu.memory_space<hbm>>) dst(%dma_wait3A_179 : memref<104x320xbf16, #tpu.memory_space<vmem>>)
      %dma_wait3A_185 = arith.constant 104 : i32
      %dma_wait3A_186 = arith.constant 0 : i32
      %dma_wait3A_187 = tpu.memref_slice %arg8[%dma_wait3A_185, %dma_wait3A_186] : memref<200x320xbf16, #tpu.memory_space<vmem>> -> memref<96x320xbf16, #tpu.memory_space<vmem>>
      %dma_wait3A_188 = arith.constant 104 : i32
      %dma_wait3A_189 = tpu.memref_slice %arg6[%dma_wait3A_188] : memref<200xi32, #tpu.memory_space<vmem>> -> memref<96xi32, #tpu.memory_space<vmem>>
      %dma_wait3A_190 = arith.constant 0 : i32
      %dma_wait3A_191 = arith.constant 0 : i32
      %dma_wait3A_192 = tpu.memref_slice %arg3[%dma_wait3A_190, %dma_wait3A_191] : memref<95816x320xbf16, #tpu.memory_space<hbm>> -> memref<95816x320xbf16, #tpu.memory_space<hbm>>
      tpu.wait_indirect_dma semaphore(%arg11 : memref<!tpu.dma_semaphore, #tpu.memory_space<semaphore_mem>>) src(%dma_wait3A_192 : memref<95816x320xbf16, #tpu.memory_space<hbm>>) dst(%dma_wait3A_187 : memref<96x320xbf16, #tpu.memory_space<vmem>>)
      %add3A_193 = arith.constant 2 : i32
      %add3A_194 = arith.addi %add3A_169, %add3A_193 : i32
      %lt3A_195 = arith.constant 512 : i32
      %lt3A_196 = arith.cmpi slt, %add3A_194, %lt3A_195 : i32
      %convert_element_type3A_197 = arith.extui %lt3A_196 : i1 to i32
      %cond3A_198 = arith.constant 0 : i32
      %cond3A_199 = arith.cmpi ne, %convert_element_type3A_197, %cond3A_198 : i32
      scf.if %cond3A_199 {
        %add3A_296 = arith.addi %mul3A_2, %add3A_169 : i32
        %add3A_297 = arith.constant 2 : i32
        %add3A_298 = arith.addi %add3A_296, %add3A_297 : i32
        %dma_start3A_299 = arith.constant 0 : i32
        %dma_start3A_300 = tpu.memref_slice %arg2[%add3A_298, %dma_start3A_299] : memref<16384x200xi32, #tpu.memory_space<hbm>> -> memref<1x200xi32, #tpu.memory_space<hbm>>
        %dma_start3A_301 = tpu.memref_squeeze %dma_start3A_300 : memref<1x200xi32, #tpu.memory_space<hbm>> -> memref<200xi32, #tpu.memory_space<hbm>>
        %dma_start3A_302 = arith.constant 0 : i32
        %dma_start3A_303 = tpu.memref_slice %arg2[%add3A_298, %dma_start3A_302] : memref<16384x200xi32, #tpu.memory_space<hbm>> -> memref<1x200xi32, #tpu.memory_space<hbm>>
        %dma_start3A_304 = tpu.memref_squeeze %dma_start3A_303 : memref<1x200xi32, #tpu.memory_space<hbm>> -> memref<200xi32, #tpu.memory_space<hbm>>
        tpu.enqueue_dma source(%dma_start3A_304 : memref<200xi32, #tpu.memory_space<hbm>>) target(%arg6 : memref<200xi32, #tpu.memory_space<vmem>>) target_semaphore(%arg12 : memref<!tpu.dma_semaphore, #tpu.memory_space<semaphore_mem>>)
      } else {
      }
      %broadcast_in_dim3A_200 = arith.constant 0.000000e+00 : f32
      %broadcast_in_dim3A_201 = vector.broadcast %broadcast_in_dim3A_200 : f32 to vector<16xf32>
      %broadcast_in_dim3A_202 = arith.constant 0.000000e+00 : f32
      %broadcast_in_dim3A_203 = vector.broadcast %broadcast_in_dim3A_202 : f32 to vector<16xf32>
      %broadcast_in_dim3A_204 = arith.constant 0.000000e+00 : f32
      %broadcast_in_dim3A_205 = vector.broadcast %broadcast_in_dim3A_204 : f32 to vector<16xf32>
      %broadcast_in_dim3A_206 = arith.constant 0.000000e+00 : f32
      %broadcast_in_dim3A_207 = vector.broadcast %broadcast_in_dim3A_206 : f32 to vector<16xf32>
      %broadcast_in_dim3A_208 = arith.constant 0.000000e+00 : f32
      %broadcast_in_dim3A_209 = vector.broadcast %broadcast_in_dim3A_208 : f32 to vector<16xf32>
      %broadcast_in_dim3A_210 = arith.constant 0.000000e+00 : f32
      %broadcast_in_dim3A_211 = vector.broadcast %broadcast_in_dim3A_210 : f32 to vector<16xf32>
      %broadcast_in_dim3A_212 = arith.constant 0.000000e+00 : f32
      %broadcast_in_dim3A_213 = vector.broadcast %broadcast_in_dim3A_212 : f32 to vector<16xf32>
      %broadcast_in_dim3A_214 = arith.constant 0.000000e+00 : f32
      %broadcast_in_dim3A_215 = vector.broadcast %broadcast_in_dim3A_214 : f32 to vector<16xf32>
      %broadcast_in_dim3A_216 = arith.constant 0.000000e+00 : f32
      %broadcast_in_dim3A_217 = vector.broadcast %broadcast_in_dim3A_216 : f32 to vector<16xf32>
      %broadcast_in_dim3A_218 = arith.constant 0.000000e+00 : f32
      %broadcast_in_dim3A_219 = vector.broadcast %broadcast_in_dim3A_218 : f32 to vector<16xf32>
      %broadcast_in_dim3A_220 = arith.constant 0.000000e+00 : f32
      %broadcast_in_dim3A_221 = vector.broadcast %broadcast_in_dim3A_220 : f32 to vector<16xf32>
      %broadcast_in_dim3A_222 = arith.constant 0.000000e+00 : f32
      %broadcast_in_dim3A_223 = vector.broadcast %broadcast_in_dim3A_222 : f32 to vector<16xf32>
      %broadcast_in_dim3A_224 = arith.constant 0.000000e+00 : f32
      %broadcast_in_dim3A_225 = vector.broadcast %broadcast_in_dim3A_224 : f32 to vector<16xf32>
      %broadcast_in_dim3A_226 = arith.constant 0.000000e+00 : f32
      %broadcast_in_dim3A_227 = vector.broadcast %broadcast_in_dim3A_226 : f32 to vector<16xf32>
      %broadcast_in_dim3A_228 = arith.constant 0.000000e+00 : f32
      %broadcast_in_dim3A_229 = vector.broadcast %broadcast_in_dim3A_228 : f32 to vector<16xf32>
      %broadcast_in_dim3A_230 = arith.constant 0.000000e+00 : f32
      %broadcast_in_dim3A_231 = vector.broadcast %broadcast_in_dim3A_230 : f32 to vector<16xf32>
      %broadcast_in_dim3A_232 = arith.constant 0.000000e+00 : f32
      %broadcast_in_dim3A_233 = vector.broadcast %broadcast_in_dim3A_232 : f32 to vector<16xf32>
      %broadcast_in_dim3A_234 = arith.constant 0.000000e+00 : f32
      %broadcast_in_dim3A_235 = vector.broadcast %broadcast_in_dim3A_234 : f32 to vector<16xf32>
      %broadcast_in_dim3A_236 = arith.constant 0.000000e+00 : f32
      %broadcast_in_dim3A_237 = vector.broadcast %broadcast_in_dim3A_236 : f32 to vector<16xf32>
      %broadcast_in_dim3A_238 = arith.constant 0.000000e+00 : f32
      %broadcast_in_dim3A_239 = vector.broadcast %broadcast_in_dim3A_238 : f32 to vector<16xf32>
      %parallel_loop3A_240 = arith.constant 0 : i32
      %parallel_loop3A_241 = arith.constant 200 : i32
      %parallel_loop3A_242 = arith.constant 4 : i32
      %parallel_loop3A_243:20 = scf.for %parallel_loop3A_296 = %parallel_loop3A_240 to %parallel_loop3A_241 step %parallel_loop3A_242 iter_args(%parallel_loop3A_297 = %broadcast_in_dim3A_201, %parallel_loop3A_298 = %broadcast_in_dim3A_203, %parallel_loop3A_299 = %broadcast_in_dim3A_205, %parallel_loop3A_300 = %broadcast_in_dim3A_207, %parallel_loop3A_301 = %broadcast_in_dim3A_209, %parallel_loop3A_302 = %broadcast_in_dim3A_211, %parallel_loop3A_303 = %broadcast_in_dim3A_213, %parallel_loop3A_304 = %broadcast_in_dim3A_215, %parallel_loop3A_305 = %broadcast_in_dim3A_217, %parallel_loop3A_306 = %broadcast_in_dim3A_219, %parallel_loop3A_307 = %broadcast_in_dim3A_221, %parallel_loop3A_308 = %broadcast_in_dim3A_223, %parallel_loop3A_309 = %broadcast_in_dim3A_225, %parallel_loop3A_310 = %broadcast_in_dim3A_227, %parallel_loop3A_311 = %broadcast_in_dim3A_229, %parallel_loop3A_312 = %broadcast_in_dim3A_231, %parallel_loop3A_313 = %broadcast_in_dim3A_233, %parallel_loop3A_314 = %broadcast_in_dim3A_235, %parallel_loop3A_315 = %broadcast_in_dim3A_237, %parallel_loop3A_316 = %broadcast_in_dim3A_239) -> (vector<16xf32>, vector<16xf32>, vector<16xf32>, vector<16xf32>, vector<16xf32>, vector<16xf32>, vector<16xf32>, vector<16xf32>, vector<16xf32>, vector<16xf32>, vector<16xf32>, vector<16xf32>, vector<16xf32>, vector<16xf32>, vector<16xf32>, vector<16xf32>, vector<16xf32>, vector<16xf32>, vector<16xf32>, vector<16xf32>)  : i32 {
        %parallel_loop3A_317 = arith.constant 0 : i32
        %parallel_loop3A_318 = arith.addi %parallel_loop3A_296, %parallel_loop3A_317 : i32
        %parallel_loop3A_319 = arith.index_cast %parallel_loop3A_318 : i32 to index
        %parallel_loop3A_320 = arith.constant 0 : index
        %parallel_loop3A_321 = tpu.vector_load %arg8[%parallel_loop3A_319, %parallel_loop3A_320] {strides = array<i32>} : memref<200x320xbf16, #tpu.memory_space<vmem>>, vector<32xbf16>,
        %parallel_loop3A_322 = arith.constant 0 : i32
        %parallel_loop3A_323 = arith.addi %parallel_loop3A_296, %parallel_loop3A_322 : i32
        %parallel_loop3A_324 = arith.constant 1 : i32
        %parallel_loop3A_325 = arith.addi %parallel_loop3A_323, %parallel_loop3A_324 : i32
        %parallel_loop3A_326 = arith.index_cast %parallel_loop3A_325 : i32 to index
        %parallel_loop3A_327 = arith.constant 0 : index
        %parallel_loop3A_328 = tpu.vector_load %arg8[%parallel_loop3A_326, %parallel_loop3A_327] {strides = array<i32>} : memref<200x320xbf16, #tpu.memory_space<vmem>>, vector<32xbf16>,
        %parallel_loop3A_329 = arith.addf %parallel_loop3A_321, %parallel_loop3A_328 : vector<32xbf16>
        %parallel_loop3A_330 = tpu.unpack_subelements %parallel_loop3A_329, 0 {pack_format = #tpu.pack_format<interleaved>} : vector<32xbf16> -> vector<16xf32>
        %parallel_loop3A_331 = tpu.unpack_subelements %parallel_loop3A_329, 1 {pack_format = #tpu.pack_format<interleaved>} : vector<32xbf16> -> vector<16xf32>
        %parallel_loop3A_332 = arith.addf %parallel_loop3A_297, %parallel_loop3A_330 : vector<16xf32>
        %parallel_loop3A_333 = arith.addf %parallel_loop3A_298, %parallel_loop3A_331 : vector<16xf32>
        %parallel_loop3A_334 = arith.constant 0 : i32
        %parallel_loop3A_335 = arith.addi %parallel_loop3A_296, %parallel_loop3A_334 : i32
        %parallel_loop3A_336 = arith.index_cast %parallel_loop3A_335 : i32 to index
        %parallel_loop3A_337 = arith.constant 32 : index
        %parallel_loop3A_338 = tpu.vector_load %arg8[%parallel_loop3A_336, %parallel_loop3A_337] {strides = array<i32>} : memref<200x320xbf16, #tpu.memory_space<vmem>>, vector<32xbf16>,
        %parallel_loop3A_339 = arith.constant 0 : i32
        %parallel_loop3A_340 = arith.addi %parallel_loop3A_296, %parallel_loop3A_339 : i32
        %parallel_loop3A_341 = arith.constant 1 : i32
        %parallel_loop3A_342 = arith.addi %parallel_loop3A_340, %parallel_loop3A_341 : i32
        %parallel_loop3A_343 = arith.index_cast %parallel_loop3A_342 : i32 to index
        %parallel_loop3A_344 = arith.constant 32 : index
        %parallel_loop3A_345 = tpu.vector_load %arg8[%parallel_loop3A_343, %parallel_loop3A_344] {strides = array<i32>} : memref<200x320xbf16, #tpu.memory_space<vmem>>, vector<32xbf16>,
        %parallel_loop3A_346 = arith.addf %parallel_loop3A_338, %parallel_loop3A_345 : vector<32xbf16>
        %parallel_loop3A_347 = tpu.unpack_subelements %parallel_loop3A_346, 0 {pack_format = #tpu.pack_format<interleaved>} : vector<32xbf16> -> vector<16xf32>
        %parallel_loop3A_348 = tpu.unpack_subelements %parallel_loop3A_346, 1 {pack_format = #tpu.pack_format<interleaved>} : vector<32xbf16> -> vector<16xf32>
        %parallel_loop3A_349 = arith.addf %parallel_loop3A_299, %parallel_loop3A_347 : vector<16xf32>
        %parallel_loop3A_350 = arith.addf %parallel_loop3A_300, %parallel_loop3A_348 : vector<16xf32>
        %parallel_loop3A_351 = arith.constant 0 : i32
        %parallel_loop3A_352 = arith.addi %parallel_loop3A_296, %parallel_loop3A_351 : i32
        %parallel_loop3A_353 = arith.index_cast %parallel_loop3A_352 : i32 to index
        %parallel_loop3A_354 = arith.constant 64 : index
        %parallel_loop3A_355 = tpu.vector_load %arg8[%parallel_loop3A_353, %parallel_loop3A_354] {strides = array<i32>} : memref<200x320xbf16, #tpu.memory_space<vmem>>, vector<32xbf16>,
        %parallel_loop3A_356 = arith.constant 0 : i32
        %parallel_loop3A_357 = arith.addi %parallel_loop3A_296, %parallel_loop3A_356 : i32
        %parallel_loop3A_358 = arith.constant 1 : i32
        %parallel_loop3A_359 = arith.addi %parallel_loop3A_357, %parallel_loop3A_358 : i32
        %parallel_loop3A_360 = arith.index_cast %parallel_loop3A_359 : i32 to index
        %parallel_loop3A_361 = arith.constant 64 : index
        %parallel_loop3A_362 = tpu.vector_load %arg8[%parallel_loop3A_360, %parallel_loop3A_361] {strides = array<i32>} : memref<200x320xbf16, #tpu.memory_space<vmem>>, vector<32xbf16>,
        %parallel_loop3A_363 = arith.addf %parallel_loop3A_355, %parallel_loop3A_362 : vector<32xbf16>
        %parallel_loop3A_364 = tpu.unpack_subelements %parallel_loop3A_363, 0 {pack_format = #tpu.pack_format<interleaved>} : vector<32xbf16> -> vector<16xf32>
        %parallel_loop3A_365 = tpu.unpack_subelements %parallel_loop3A_363, 1 {pack_format = #tpu.pack_format<interleaved>} : vector<32xbf16> -> vector<16xf32>
        %parallel_loop3A_366 = arith.addf %parallel_loop3A_301, %parallel_loop3A_364 : vector<16xf32>
        %parallel_loop3A_367 = arith.addf %parallel_loop3A_302, %parallel_loop3A_365 : vector<16xf32>
        %parallel_loop3A_368 = arith.constant 0 : i32
        %parallel_loop3A_369 = arith.addi %parallel_loop3A_296, %parallel_loop3A_368 : i32
        %parallel_loop3A_370 = arith.index_cast %parallel_loop3A_369 : i32 to index
        %parallel_loop3A_371 = arith.constant 96 : index
        %parallel_loop3A_372 = tpu.vector_load %arg8[%parallel_loop3A_370, %parallel_loop3A_371] {strides = array<i32>} : memref<200x320xbf16, #tpu.memory_space<vmem>>, vector<32xbf16>,
        %parallel_loop3A_373 = arith.constant 0 : i32
        %parallel_loop3A_374 = arith.addi %parallel_loop3A_296, %parallel_loop3A_373 : i32
        %parallel_loop3A_375 = arith.constant 1 : i32
        %parallel_loop3A_376 = arith.addi %parallel_loop3A_374, %parallel_loop3A_375 : i32
        %parallel_loop3A_377 = arith.index_cast %parallel_loop3A_376 : i32 to index
        %parallel_loop3A_378 = arith.constant 96 : index
        %parallel_loop3A_379 = tpu.vector_load %arg8[%parallel_loop3A_377, %parallel_loop3A_378] {strides = array<i32>} : memref<200x320xbf16, #tpu.memory_space<vmem>>, vector<32xbf16>,
        %parallel_loop3A_380 = arith.addf %parallel_loop3A_372, %parallel_loop3A_379 : vector<32xbf16>
        %parallel_loop3A_381 = tpu.unpack_subelements %parallel_loop3A_380, 0 {pack_format = #tpu.pack_format<interleaved>} : vector<32xbf16> -> vector<16xf32>
        %parallel_loop3A_382 = tpu.unpack_subelements %parallel_loop3A_380, 1 {pack_format = #tpu.pack_format<interleaved>} : vector<32xbf16> -> vector<16xf32>
        %parallel_loop3A_383 = arith.addf %parallel_loop3A_303, %parallel_loop3A_381 : vector<16xf32>
        %parallel_loop3A_384 = arith.addf %parallel_loop3A_304, %parallel_loop3A_382 : vector<16xf32>
        %parallel_loop3A_385 = arith.constant 0 : i32
        %parallel_loop3A_386 = arith.addi %parallel_loop3A_296, %parallel_loop3A_385 : i32
        %parallel_loop3A_387 = arith.index_cast %parallel_loop3A_386 : i32 to index
        %parallel_loop3A_388 = arith.constant 128 : index
        %parallel_loop3A_389 = tpu.vector_load %arg8[%parallel_loop3A_387, %parallel_loop3A_388] {strides = array<i32>} : memref<200x320xbf16, #tpu.memory_space<vmem>>, vector<32xbf16>,
        %parallel_loop3A_390 = arith.constant 0 : i32
        %parallel_loop3A_391 = arith.addi %parallel_loop3A_296, %parallel_loop3A_390 : i32
        %parallel_loop3A_392 = arith.constant 1 : i32
        %parallel_loop3A_393 = arith.addi %parallel_loop3A_391, %parallel_loop3A_392 : i32
        %parallel_loop3A_394 = arith.index_cast %parallel_loop3A_393 : i32 to index
        %parallel_loop3A_395 = arith.constant 128 : index
        %parallel_loop3A_396 = tpu.vector_load %arg8[%parallel_loop3A_394, %parallel_loop3A_395] {strides = array<i32>} : memref<200x320xbf16, #tpu.memory_space<vmem>>, vector<32xbf16>,
        %parallel_loop3A_397 = arith.addf %parallel_loop3A_389, %parallel_loop3A_396 : vector<32xbf16>
        %parallel_loop3A_398 = tpu.unpack_subelements %parallel_loop3A_397, 0 {pack_format = #tpu.pack_format<interleaved>} : vector<32xbf16> -> vector<16xf32>
        %parallel_loop3A_399 = tpu.unpack_subelements %parallel_loop3A_397, 1 {pack_format = #tpu.pack_format<interleaved>} : vector<32xbf16> -> vector<16xf32>
        %parallel_loop3A_400 = arith.addf %parallel_loop3A_305, %parallel_loop3A_398 : vector<16xf32>
        %parallel_loop3A_401 = arith.addf %parallel_loop3A_306, %parallel_loop3A_399 : vector<16xf32>
        %parallel_loop3A_402 = arith.constant 0 : i32
        %parallel_loop3A_403 = arith.addi %parallel_loop3A_296, %parallel_loop3A_402 : i32
        %parallel_loop3A_404 = arith.index_cast %parallel_loop3A_403 : i32 to index
        %parallel_loop3A_405 = arith.constant 160 : index
        %parallel_loop3A_406 = tpu.vector_load %arg8[%parallel_loop3A_404, %parallel_loop3A_405] {strides = array<i32>} : memref<200x320xbf16, #tpu.memory_space<vmem>>, vector<32xbf16>,
        %parallel_loop3A_407 = arith.constant 0 : i32
        %parallel_loop3A_408 = arith.addi %parallel_loop3A_296, %parallel_loop3A_407 : i32
        %parallel_loop3A_409 = arith.constant 1 : i32
        %parallel_loop3A_410 = arith.addi %parallel_loop3A_408, %parallel_loop3A_409 : i32
        %parallel_loop3A_411 = arith.index_cast %parallel_loop3A_410 : i32 to index
        %parallel_loop3A_412 = arith.constant 160 : index
        %parallel_loop3A_413 = tpu.vector_load %arg8[%parallel_loop3A_411, %parallel_loop3A_412] {strides = array<i32>} : memref<200x320xbf16, #tpu.memory_space<vmem>>, vector<32xbf16>,
        %parallel_loop3A_414 = arith.addf %parallel_loop3A_406, %parallel_loop3A_413 : vector<32xbf16>
        %parallel_loop3A_415 = tpu.unpack_subelements %parallel_loop3A_414, 0 {pack_format = #tpu.pack_format<interleaved>} : vector<32xbf16> -> vector<16xf32>
        %parallel_loop3A_416 = tpu.unpack_subelements %parallel_loop3A_414, 1 {pack_format = #tpu.pack_format<interleaved>} : vector<32xbf16> -> vector<16xf32>
        %parallel_loop3A_417 = arith.addf %parallel_loop3A_307, %parallel_loop3A_415 : vector<16xf32>
        %parallel_loop3A_418 = arith.addf %parallel_loop3A_308, %parallel_loop3A_416 : vector<16xf32>
        %parallel_loop3A_419 = arith.constant 0 : i32
        %parallel_loop3A_420 = arith.addi %parallel_loop3A_296, %parallel_loop3A_419 : i32
        %parallel_loop3A_421 = arith.index_cast %parallel_loop3A_420 : i32 to index
        %parallel_loop3A_422 = arith.constant 192 : index
        %parallel_loop3A_423 = tpu.vector_load %arg8[%parallel_loop3A_421, %parallel_loop3A_422] {strides = array<i32>} : memref<200x320xbf16, #tpu.memory_space<vmem>>, vector<32xbf16>,
        %parallel_loop3A_424 = arith.constant 0 : i32
        %parallel_loop3A_425 = arith.addi %parallel_loop3A_296, %parallel_loop3A_424 : i32
        %parallel_loop3A_426 = arith.constant 1 : i32
        %parallel_loop3A_427 = arith.addi %parallel_loop3A_425, %parallel_loop3A_426 : i32
        %parallel_loop3A_428 = arith.index_cast %parallel_loop3A_427 : i32 to index
        %parallel_loop3A_429 = arith.constant 192 : index
        %parallel_loop3A_430 = tpu.vector_load %arg8[%parallel_loop3A_428, %parallel_loop3A_429] {strides = array<i32>} : memref<200x320xbf16, #tpu.memory_space<vmem>>, vector<32xbf16>,
        %parallel_loop3A_431 = arith.addf %parallel_loop3A_423, %parallel_loop3A_430 : vector<32xbf16>
        %parallel_loop3A_432 = tpu.unpack_subelements %parallel_loop3A_431, 0 {pack_format = #tpu.pack_format<interleaved>} : vector<32xbf16> -> vector<16xf32>
        %parallel_loop3A_433 = tpu.unpack_subelements %parallel_loop3A_431, 1 {pack_format = #tpu.pack_format<interleaved>} : vector<32xbf16> -> vector<16xf32>
        %parallel_loop3A_434 = arith.addf %parallel_loop3A_309, %parallel_loop3A_432 : vector<16xf32>
        %parallel_loop3A_435 = arith.addf %parallel_loop3A_310, %parallel_loop3A_433 : vector<16xf32>
        %parallel_loop3A_436 = arith.constant 0 : i32
        %parallel_loop3A_437 = arith.addi %parallel_loop3A_296, %parallel_loop3A_436 : i32
        %parallel_loop3A_438 = arith.index_cast %parallel_loop3A_437 : i32 to index
        %parallel_loop3A_439 = arith.constant 224 : index
        %parallel_loop3A_440 = tpu.vector_load %arg8[%parallel_loop3A_438, %parallel_loop3A_439] {strides = array<i32>} : memref<200x320xbf16, #tpu.memory_space<vmem>>, vector<32xbf16>,
        %parallel_loop3A_441 = arith.constant 0 : i32
        %parallel_loop3A_442 = arith.addi %parallel_loop3A_296, %parallel_loop3A_441 : i32
        %parallel_loop3A_443 = arith.constant 1 : i32
        %parallel_loop3A_444 = arith.addi %parallel_loop3A_442, %parallel_loop3A_443 : i32
        %parallel_loop3A_445 = arith.index_cast %parallel_loop3A_444 : i32 to index
        %parallel_loop3A_446 = arith.constant 224 : index
        %parallel_loop3A_447 = tpu.vector_load %arg8[%parallel_loop3A_445, %parallel_loop3A_446] {strides = array<i32>} : memref<200x320xbf16, #tpu.memory_space<vmem>>, vector<32xbf16>,
        %parallel_loop3A_448 = arith.addf %parallel_loop3A_440, %parallel_loop3A_447 : vector<32xbf16>
        %parallel_loop3A_449 = tpu.unpack_subelements %parallel_loop3A_448, 0 {pack_format = #tpu.pack_format<interleaved>} : vector<32xbf16> -> vector<16xf32>
        %parallel_loop3A_450 = tpu.unpack_subelements %parallel_loop3A_448, 1 {pack_format = #tpu.pack_format<interleaved>} : vector<32xbf16> -> vector<16xf32>
        %parallel_loop3A_451 = arith.addf %parallel_loop3A_311, %parallel_loop3A_449 : vector<16xf32>
        %parallel_loop3A_452 = arith.addf %parallel_loop3A_312, %parallel_loop3A_450 : vector<16xf32>
        %parallel_loop3A_453 = arith.constant 0 : i32
        %parallel_loop3A_454 = arith.addi %parallel_loop3A_296, %parallel_loop3A_453 : i32
        %parallel_loop3A_455 = arith.index_cast %parallel_loop3A_454 : i32 to index
        %parallel_loop3A_456 = arith.constant 256 : index
        %parallel_loop3A_457 = tpu.vector_load %arg8[%parallel_loop3A_455, %parallel_loop3A_456] {strides = array<i32>} : memref<200x320xbf16, #tpu.memory_space<vmem>>, vector<32xbf16>,
        %parallel_loop3A_458 = arith.constant 0 : i32
        %parallel_loop3A_459 = arith.addi %parallel_loop3A_296, %parallel_loop3A_458 : i32
        %parallel_loop3A_460 = arith.constant 1 : i32
        %parallel_loop3A_461 = arith.addi %parallel_loop3A_459, %parallel_loop3A_460 : i32
        %parallel_loop3A_462 = arith.index_cast %parallel_loop3A_461 : i32 to index
        %parallel_loop3A_463 = arith.constant 256 : index
        %parallel_loop3A_464 = tpu.vector_load %arg8[%parallel_loop3A_462, %parallel_loop3A_463] {strides = array<i32>} : memref<200x320xbf16, #tpu.memory_space<vmem>>, vector<32xbf16>,
        %parallel_loop3A_465 = arith.addf %parallel_loop3A_457, %parallel_loop3A_464 : vector<32xbf16>
        %parallel_loop3A_466 = tpu.unpack_subelements %parallel_loop3A_465, 0 {pack_format = #tpu.pack_format<interleaved>} : vector<32xbf16> -> vector<16xf32>
        %parallel_loop3A_467 = tpu.unpack_subelements %parallel_loop3A_465, 1 {pack_format = #tpu.pack_format<interleaved>} : vector<32xbf16> -> vector<16xf32>
        %parallel_loop3A_468 = arith.addf %parallel_loop3A_313, %parallel_loop3A_466 : vector<16xf32>
        %parallel_loop3A_469 = arith.addf %parallel_loop3A_314, %parallel_loop3A_467 : vector<16xf32>
        %parallel_loop3A_470 = arith.constant 0 : i32
        %parallel_loop3A_471 = arith.addi %parallel_loop3A_296, %parallel_loop3A_470 : i32
        %parallel_loop3A_472 = arith.index_cast %parallel_loop3A_471 : i32 to index
        %parallel_loop3A_473 = arith.constant 288 : index
        %parallel_loop3A_474 = tpu.vector_load %arg8[%parallel_loop3A_472, %parallel_loop3A_473] {strides = array<i32>} : memref<200x320xbf16, #tpu.memory_space<vmem>>, vector<32xbf16>,
        %parallel_loop3A_475 = arith.constant 0 : i32
        %parallel_loop3A_476 = arith.addi %parallel_loop3A_296, %parallel_loop3A_475 : i32
        %parallel_loop3A_477 = arith.constant 1 : i32
        %parallel_loop3A_478 = arith.addi %parallel_loop3A_476, %parallel_loop3A_477 : i32
        %parallel_loop3A_479 = arith.index_cast %parallel_loop3A_478 : i32 to index
        %parallel_loop3A_480 = arith.constant 288 : index
        %parallel_loop3A_481 = tpu.vector_load %arg8[%parallel_loop3A_479, %parallel_loop3A_480] {strides = array<i32>} : memref<200x320xbf16, #tpu.memory_space<vmem>>, vector<32xbf16>,
        %parallel_loop3A_482 = arith.addf %parallel_loop3A_474, %parallel_loop3A_481 : vector<32xbf16>
        %parallel_loop3A_483 = tpu.unpack_subelements %parallel_loop3A_482, 0 {pack_format = #tpu.pack_format<interleaved>} : vector<32xbf16> -> vector<16xf32>
        %parallel_loop3A_484 = tpu.unpack_subelements %parallel_loop3A_482, 1 {pack_format = #tpu.pack_format<interleaved>} : vector<32xbf16> -> vector<16xf32>
        %parallel_loop3A_485 = arith.addf %parallel_loop3A_315, %parallel_loop3A_483 : vector<16xf32>
        %parallel_loop3A_486 = arith.addf %parallel_loop3A_316, %parallel_loop3A_484 : vector<16xf32>
        %parallel_loop3A_487 = arith.constant 2 : i32
        %parallel_loop3A_488 = arith.addi %parallel_loop3A_296, %parallel_loop3A_487 : i32
        %parallel_loop3A_489 = arith.index_cast %parallel_loop3A_488 : i32 to index
        %parallel_loop3A_490 = arith.constant 0 : index
        %parallel_loop3A_491 = tpu.vector_load %arg8[%parallel_loop3A_489, %parallel_loop3A_490] {strides = array<i32>} : memref<200x320xbf16, #tpu.memory_space<vmem>>, vector<32xbf16>,
        %parallel_loop3A_492 = arith.constant 2 : i32
        %parallel_loop3A_493 = arith.addi %parallel_loop3A_296, %parallel_loop3A_492 : i32
        %parallel_loop3A_494 = arith.constant 1 : i32
        %parallel_loop3A_495 = arith.addi %parallel_loop3A_493, %parallel_loop3A_494 : i32
        %parallel_loop3A_496 = arith.index_cast %parallel_loop3A_495 : i32 to index
        %parallel_loop3A_497 = arith.constant 0 : index
        %parallel_loop3A_498 = tpu.vector_load %arg8[%parallel_loop3A_496, %parallel_loop3A_497] {strides = array<i32>} : memref<200x320xbf16, #tpu.memory_space<vmem>>, vector<32xbf16>,
        %parallel_loop3A_499 = arith.addf %parallel_loop3A_491, %parallel_loop3A_498 : vector<32xbf16>
        %parallel_loop3A_500 = tpu.unpack_subelements %parallel_loop3A_499, 0 {pack_format = #tpu.pack_format<interleaved>} : vector<32xbf16> -> vector<16xf32>
        %parallel_loop3A_501 = tpu.unpack_subelements %parallel_loop3A_499, 1 {pack_format = #tpu.pack_format<interleaved>} : vector<32xbf16> -> vector<16xf32>
        %parallel_loop3A_502 = arith.addf %parallel_loop3A_332, %parallel_loop3A_500 : vector<16xf32>
        %parallel_loop3A_503 = arith.addf %parallel_loop3A_333, %parallel_loop3A_501 : vector<16xf32>
        %parallel_loop3A_504 = arith.constant 2 : i32
        %parallel_loop3A_505 = arith.addi %parallel_loop3A_296, %parallel_loop3A_504 : i32
        %parallel_loop3A_506 = arith.index_cast %parallel_loop3A_505 : i32 to index
        %parallel_loop3A_507 = arith.constant 32 : index
        %parallel_loop3A_508 = tpu.vector_load %arg8[%parallel_loop3A_506, %parallel_loop3A_507] {strides = array<i32>} : memref<200x320xbf16, #tpu.memory_space<vmem>>, vector<32xbf16>,
        %parallel_loop3A_509 = arith.constant 2 : i32
        %parallel_loop3A_510 = arith.addi %parallel_loop3A_296, %parallel_loop3A_509 : i32
        %parallel_loop3A_511 = arith.constant 1 : i32
        %parallel_loop3A_512 = arith.addi %parallel_loop3A_510, %parallel_loop3A_511 : i32
        %parallel_loop3A_513 = arith.index_cast %parallel_loop3A_512 : i32 to index
        %parallel_loop3A_514 = arith.constant 32 : index
        %parallel_loop3A_515 = tpu.vector_load %arg8[%parallel_loop3A_513, %parallel_loop3A_514] {strides = array<i32>} : memref<200x320xbf16, #tpu.memory_space<vmem>>, vector<32xbf16>,
        %parallel_loop3A_516 = arith.addf %parallel_loop3A_508, %parallel_loop3A_515 : vector<32xbf16>
        %parallel_loop3A_517 = tpu.unpack_subelements %parallel_loop3A_516, 0 {pack_format = #tpu.pack_format<interleaved>} : vector<32xbf16> -> vector<16xf32>
        %parallel_loop3A_518 = tpu.unpack_subelements %parallel_loop3A_516, 1 {pack_format = #tpu.pack_format<interleaved>} : vector<32xbf16> -> vector<16xf32>
        %parallel_loop3A_519 = arith.addf %parallel_loop3A_349, %parallel_loop3A_517 : vector<16xf32>
        %parallel_loop3A_520 = arith.addf %parallel_loop3A_350, %parallel_loop3A_518 : vector<16xf32>
        %parallel_loop3A_521 = arith.constant 2 : i32
        %parallel_loop3A_522 = arith.addi %parallel_loop3A_296, %parallel_loop3A_521 : i32
        %parallel_loop3A_523 = arith.index_cast %parallel_loop3A_522 : i32 to index
        %parallel_loop3A_524 = arith.constant 64 : index
        %parallel_loop3A_525 = tpu.vector_load %arg8[%parallel_loop3A_523, %parallel_loop3A_524] {strides = array<i32>} : memref<200x320xbf16, #tpu.memory_space<vmem>>, vector<32xbf16>,
        %parallel_loop3A_526 = arith.constant 2 : i32
        %parallel_loop3A_527 = arith.addi %parallel_loop3A_296, %parallel_loop3A_526 : i32
        %parallel_loop3A_528 = arith.constant 1 : i32
        %parallel_loop3A_529 = arith.addi %parallel_loop3A_527, %parallel_loop3A_528 : i32
        %parallel_loop3A_530 = arith.index_cast %parallel_loop3A_529 : i32 to index
        %parallel_loop3A_531 = arith.constant 64 : index
        %parallel_loop3A_532 = tpu.vector_load %arg8[%parallel_loop3A_530, %parallel_loop3A_531] {strides = array<i32>} : memref<200x320xbf16, #tpu.memory_space<vmem>>, vector<32xbf16>,
        %parallel_loop3A_533 = arith.addf %parallel_loop3A_525, %parallel_loop3A_532 : vector<32xbf16>
        %parallel_loop3A_534 = tpu.unpack_subelements %parallel_loop3A_533, 0 {pack_format = #tpu.pack_format<interleaved>} : vector<32xbf16> -> vector<16xf32>
        %parallel_loop3A_535 = tpu.unpack_subelements %parallel_loop3A_533, 1 {pack_format = #tpu.pack_format<interleaved>} : vector<32xbf16> -> vector<16xf32>
        %parallel_loop3A_536 = arith.addf %parallel_loop3A_366, %parallel_loop3A_534 : vector<16xf32>
        %parallel_loop3A_537 = arith.addf %parallel_loop3A_367, %parallel_loop3A_535 : vector<16xf32>
        %parallel_loop3A_538 = arith.constant 2 : i32
        %parallel_loop3A_539 = arith.addi %parallel_loop3A_296, %parallel_loop3A_538 : i32
        %parallel_loop3A_540 = arith.index_cast %parallel_loop3A_539 : i32 to index
        %parallel_loop3A_541 = arith.constant 96 : index
        %parallel_loop3A_542 = tpu.vector_load %arg8[%parallel_loop3A_540, %parallel_loop3A_541] {strides = array<i32>} : memref<200x320xbf16, #tpu.memory_space<vmem>>, vector<32xbf16>,
        %parallel_loop3A_543 = arith.constant 2 : i32
        %parallel_loop3A_544 = arith.addi %parallel_loop3A_296, %parallel_loop3A_543 : i32
        %parallel_loop3A_545 = arith.constant 1 : i32
        %parallel_loop3A_546 = arith.addi %parallel_loop3A_544, %parallel_loop3A_545 : i32
        %parallel_loop3A_547 = arith.index_cast %parallel_loop3A_546 : i32 to index
        %parallel_loop3A_548 = arith.constant 96 : index
        %parallel_loop3A_549 = tpu.vector_load %arg8[%parallel_loop3A_547, %parallel_loop3A_548] {strides = array<i32>} : memref<200x320xbf16, #tpu.memory_space<vmem>>, vector<32xbf16>,
        %parallel_loop3A_550 = arith.addf %parallel_loop3A_542, %parallel_loop3A_549 : vector<32xbf16>
        %parallel_loop3A_551 = tpu.unpack_subelements %parallel_loop3A_550, 0 {pack_format = #tpu.pack_format<interleaved>} : vector<32xbf16> -> vector<16xf32>
        %parallel_loop3A_552 = tpu.unpack_subelements %parallel_loop3A_550, 1 {pack_format = #tpu.pack_format<interleaved>} : vector<32xbf16> -> vector<16xf32>
        %parallel_loop3A_553 = arith.addf %parallel_loop3A_383, %parallel_loop3A_551 : vector<16xf32>
        %parallel_loop3A_554 = arith.addf %parallel_loop3A_384, %parallel_loop3A_552 : vector<16xf32>
        %parallel_loop3A_555 = arith.constant 2 : i32
        %parallel_loop3A_556 = arith.addi %parallel_loop3A_296, %parallel_loop3A_555 : i32
        %parallel_loop3A_557 = arith.index_cast %parallel_loop3A_556 : i32 to index
        %parallel_loop3A_558 = arith.constant 128 : index
        %parallel_loop3A_559 = tpu.vector_load %arg8[%parallel_loop3A_557, %parallel_loop3A_558] {strides = array<i32>} : memref<200x320xbf16, #tpu.memory_space<vmem>>, vector<32xbf16>,
        %parallel_loop3A_560 = arith.constant 2 : i32
        %parallel_loop3A_561 = arith.addi %parallel_loop3A_296, %parallel_loop3A_560 : i32
        %parallel_loop3A_562 = arith.constant 1 : i32
        %parallel_loop3A_563 = arith.addi %parallel_loop3A_561, %parallel_loop3A_562 : i32
        %parallel_loop3A_564 = arith.index_cast %parallel_loop3A_563 : i32 to index
        %parallel_loop3A_565 = arith.constant 128 : index
        %parallel_loop3A_566 = tpu.vector_load %arg8[%parallel_loop3A_564, %parallel_loop3A_565] {strides = array<i32>} : memref<200x320xbf16, #tpu.memory_space<vmem>>, vector<32xbf16>,
        %parallel_loop3A_567 = arith.addf %parallel_loop3A_559, %parallel_loop3A_566 : vector<32xbf16>
        %parallel_loop3A_568 = tpu.unpack_subelements %parallel_loop3A_567, 0 {pack_format = #tpu.pack_format<interleaved>} : vector<32xbf16> -> vector<16xf32>
        %parallel_loop3A_569 = tpu.unpack_subelements %parallel_loop3A_567, 1 {pack_format = #tpu.pack_format<interleaved>} : vector<32xbf16> -> vector<16xf32>
        %parallel_loop3A_570 = arith.addf %parallel_loop3A_400, %parallel_loop3A_568 : vector<16xf32>
        %parallel_loop3A_571 = arith.addf %parallel_loop3A_401, %parallel_loop3A_569 : vector<16xf32>
        %parallel_loop3A_572 = arith.constant 2 : i32
        %parallel_loop3A_573 = arith.addi %parallel_loop3A_296, %parallel_loop3A_572 : i32
        %parallel_loop3A_574 = arith.index_cast %parallel_loop3A_573 : i32 to index
        %parallel_loop3A_575 = arith.constant 160 : index
        %parallel_loop3A_576 = tpu.vector_load %arg8[%parallel_loop3A_574, %parallel_loop3A_575] {strides = array<i32>} : memref<200x320xbf16, #tpu.memory_space<vmem>>, vector<32xbf16>,
        %parallel_loop3A_577 = arith.constant 2 : i32
        %parallel_loop3A_578 = arith.addi %parallel_loop3A_296, %parallel_loop3A_577 : i32
        %parallel_loop3A_579 = arith.constant 1 : i32
        %parallel_loop3A_580 = arith.addi %parallel_loop3A_578, %parallel_loop3A_579 : i32
        %parallel_loop3A_581 = arith.index_cast %parallel_loop3A_580 : i32 to index
        %parallel_loop3A_582 = arith.constant 160 : index
        %parallel_loop3A_583 = tpu.vector_load %arg8[%parallel_loop3A_581, %parallel_loop3A_582] {strides = array<i32>} : memref<200x320xbf16, #tpu.memory_space<vmem>>, vector<32xbf16>,
        %parallel_loop3A_584 = arith.addf %parallel_loop3A_576, %parallel_loop3A_583 : vector<32xbf16>
        %parallel_loop3A_585 = tpu.unpack_subelements %parallel_loop3A_584, 0 {pack_format = #tpu.pack_format<interleaved>} : vector<32xbf16> -> vector<16xf32>
        %parallel_loop3A_586 = tpu.unpack_subelements %parallel_loop3A_584, 1 {pack_format = #tpu.pack_format<interleaved>} : vector<32xbf16> -> vector<16xf32>
        %parallel_loop3A_587 = arith.addf %parallel_loop3A_417, %parallel_loop3A_585 : vector<16xf32>
        %parallel_loop3A_588 = arith.addf %parallel_loop3A_418, %parallel_loop3A_586 : vector<16xf32>
        %parallel_loop3A_589 = arith.constant 2 : i32
        %parallel_loop3A_590 = arith.addi %parallel_loop3A_296, %parallel_loop3A_589 : i32
        %parallel_loop3A_591 = arith.index_cast %parallel_loop3A_590 : i32 to index
        %parallel_loop3A_592 = arith.constant 192 : index
        %parallel_loop3A_593 = tpu.vector_load %arg8[%parallel_loop3A_591, %parallel_loop3A_592] {strides = array<i32>} : memref<200x320xbf16, #tpu.memory_space<vmem>>, vector<32xbf16>,
        %parallel_loop3A_594 = arith.constant 2 : i32
        %parallel_loop3A_595 = arith.addi %parallel_loop3A_296, %parallel_loop3A_594 : i32
        %parallel_loop3A_596 = arith.constant 1 : i32
        %parallel_loop3A_597 = arith.addi %parallel_loop3A_595, %parallel_loop3A_596 : i32
        %parallel_loop3A_598 = arith.index_cast %parallel_loop3A_597 : i32 to index
        %parallel_loop3A_599 = arith.constant 192 : index
        %parallel_loop3A_600 = tpu.vector_load %arg8[%parallel_loop3A_598, %parallel_loop3A_599] {strides = array<i32>} : memref<200x320xbf16, #tpu.memory_space<vmem>>, vector<32xbf16>,
        %parallel_loop3A_601 = arith.addf %parallel_loop3A_593, %parallel_loop3A_600 : vector<32xbf16>
        %parallel_loop3A_602 = tpu.unpack_subelements %parallel_loop3A_601, 0 {pack_format = #tpu.pack_format<interleaved>} : vector<32xbf16> -> vector<16xf32>
        %parallel_loop3A_603 = tpu.unpack_subelements %parallel_loop3A_601, 1 {pack_format = #tpu.pack_format<interleaved>} : vector<32xbf16> -> vector<16xf32>
        %parallel_loop3A_604 = arith.addf %parallel_loop3A_434, %parallel_loop3A_602 : vector<16xf32>
        %parallel_loop3A_605 = arith.addf %parallel_loop3A_435, %parallel_loop3A_603 : vector<16xf32>
        %parallel_loop3A_606 = arith.constant 2 : i32
        %parallel_loop3A_607 = arith.addi %parallel_loop3A_296, %parallel_loop3A_606 : i32
        %parallel_loop3A_608 = arith.index_cast %parallel_loop3A_607 : i32 to index
        %parallel_loop3A_609 = arith.constant 224 : index
        %parallel_loop3A_610 = tpu.vector_load %arg8[%parallel_loop3A_608, %parallel_loop3A_609] {strides = array<i32>} : memref<200x320xbf16, #tpu.memory_space<vmem>>, vector<32xbf16>,
        %parallel_loop3A_611 = arith.constant 2 : i32
        %parallel_loop3A_612 = arith.addi %parallel_loop3A_296, %parallel_loop3A_611 : i32
        %parallel_loop3A_613 = arith.constant 1 : i32
        %parallel_loop3A_614 = arith.addi %parallel_loop3A_612, %parallel_loop3A_613 : i32
        %parallel_loop3A_615 = arith.index_cast %parallel_loop3A_614 : i32 to index
        %parallel_loop3A_616 = arith.constant 224 : index
        %parallel_loop3A_617 = tpu.vector_load %arg8[%parallel_loop3A_615, %parallel_loop3A_616] {strides = array<i32>} : memref<200x320xbf16, #tpu.memory_space<vmem>>, vector<32xbf16>,
        %parallel_loop3A_618 = arith.addf %parallel_loop3A_610, %parallel_loop3A_617 : vector<32xbf16>
        %parallel_loop3A_619 = tpu.unpack_subelements %parallel_loop3A_618, 0 {pack_format = #tpu.pack_format<interleaved>} : vector<32xbf16> -> vector<16xf32>
        %parallel_loop3A_620 = tpu.unpack_subelements %parallel_loop3A_618, 1 {pack_format = #tpu.pack_format<interleaved>} : vector<32xbf16> -> vector<16xf32>
        %parallel_loop3A_621 = arith.addf %parallel_loop3A_451, %parallel_loop3A_619 : vector<16xf32>
        %parallel_loop3A_622 = arith.addf %parallel_loop3A_452, %parallel_loop3A_620 : vector<16xf32>
        %parallel_loop3A_623 = arith.constant 2 : i32
        %parallel_loop3A_624 = arith.addi %parallel_loop3A_296, %parallel_loop3A_623 : i32
        %parallel_loop3A_625 = arith.index_cast %parallel_loop3A_624 : i32 to index
        %parallel_loop3A_626 = arith.constant 256 : index
        %parallel_loop3A_627 = tpu.vector_load %arg8[%parallel_loop3A_625, %parallel_loop3A_626] {strides = array<i32>} : memref<200x320xbf16, #tpu.memory_space<vmem>>, vector<32xbf16>,
        %parallel_loop3A_628 = arith.constant 2 : i32
        %parallel_loop3A_629 = arith.addi %parallel_loop3A_296, %parallel_loop3A_628 : i32
        %parallel_loop3A_630 = arith.constant 1 : i32
        %parallel_loop3A_631 = arith.addi %parallel_loop3A_629, %parallel_loop3A_630 : i32
        %parallel_loop3A_632 = arith.index_cast %parallel_loop3A_631 : i32 to index
        %parallel_loop3A_633 = arith.constant 256 : index
        %parallel_loop3A_634 = tpu.vector_load %arg8[%parallel_loop3A_632, %parallel_loop3A_633] {strides = array<i32>} : memref<200x320xbf16, #tpu.memory_space<vmem>>, vector<32xbf16>,
        %parallel_loop3A_635 = arith.addf %parallel_loop3A_627, %parallel_loop3A_634 : vector<32xbf16>
        %parallel_loop3A_636 = tpu.unpack_subelements %parallel_loop3A_635, 0 {pack_format = #tpu.pack_format<interleaved>} : vector<32xbf16> -> vector<16xf32>
        %parallel_loop3A_637 = tpu.unpack_subelements %parallel_loop3A_635, 1 {pack_format = #tpu.pack_format<interleaved>} : vector<32xbf16> -> vector<16xf32>
        %parallel_loop3A_638 = arith.addf %parallel_loop3A_468, %parallel_loop3A_636 : vector<16xf32>
        %parallel_loop3A_639 = arith.addf %parallel_loop3A_469, %parallel_loop3A_637 : vector<16xf32>
        %parallel_loop3A_640 = arith.constant 2 : i32
        %parallel_loop3A_641 = arith.addi %parallel_loop3A_296, %parallel_loop3A_640 : i32
        %parallel_loop3A_642 = arith.index_cast %parallel_loop3A_641 : i32 to index
        %parallel_loop3A_643 = arith.constant 288 : index
        %parallel_loop3A_644 = tpu.vector_load %arg8[%parallel_loop3A_642, %parallel_loop3A_643] {strides = array<i32>} : memref<200x320xbf16, #tpu.memory_space<vmem>>, vector<32xbf16>,
        %parallel_loop3A_645 = arith.constant 2 : i32
        %parallel_loop3A_646 = arith.addi %parallel_loop3A_296, %parallel_loop3A_645 : i32
        %parallel_loop3A_647 = arith.constant 1 : i32
        %parallel_loop3A_648 = arith.addi %parallel_loop3A_646, %parallel_loop3A_647 : i32
        %parallel_loop3A_649 = arith.index_cast %parallel_loop3A_648 : i32 to index
        %parallel_loop3A_650 = arith.constant 288 : index
        %parallel_loop3A_651 = tpu.vector_load %arg8[%parallel_loop3A_649, %parallel_loop3A_650] {strides = array<i32>} : memref<200x320xbf16, #tpu.memory_space<vmem>>, vector<32xbf16>,
        %parallel_loop3A_652 = arith.addf %parallel_loop3A_644, %parallel_loop3A_651 : vector<32xbf16>
        %parallel_loop3A_653 = tpu.unpack_subelements %parallel_loop3A_652, 0 {pack_format = #tpu.pack_format<interleaved>} : vector<32xbf16> -> vector<16xf32>
        %parallel_loop3A_654 = tpu.unpack_subelements %parallel_loop3A_652, 1 {pack_format = #tpu.pack_format<interleaved>} : vector<32xbf16> -> vector<16xf32>
        %parallel_loop3A_655 = arith.addf %parallel_loop3A_485, %parallel_loop3A_653 : vector<16xf32>
        %parallel_loop3A_656 = arith.addf %parallel_loop3A_486, %parallel_loop3A_654 : vector<16xf32>
        scf.yield %parallel_loop3A_502, %parallel_loop3A_503, %parallel_loop3A_519, %parallel_loop3A_520, %parallel_loop3A_536, %parallel_loop3A_537, %parallel_loop3A_553, %parallel_loop3A_554, %parallel_loop3A_570, %parallel_loop3A_571, %parallel_loop3A_587, %parallel_loop3A_588, %parallel_loop3A_604, %parallel_loop3A_605, %parallel_loop3A_621, %parallel_loop3A_622, %parallel_loop3A_638, %parallel_loop3A_639, %parallel_loop3A_655, %parallel_loop3A_656 : vector<16xf32>, vector<16xf32>, vector<16xf32>, vector<16xf32>, vector<16xf32>, vector<16xf32>, vector<16xf32>, vector<16xf32>, vector<16xf32>, vector<16xf32>, vector<16xf32>, vector<16xf32>, vector<16xf32>, vector<16xf32>, vector<16xf32>, vector<16xf32>, vector<16xf32>, vector<16xf32>, vector<16xf32>, vector<16xf32>
      } {sc.loop_unroll_factor = 1 : i64, sc.parallel_access}
      %ge3A_244 = arith.constant 2 : i32
      %ge3A_245 = arith.cmpi sge, %add3A_169, %ge3A_244 : i32
      %convert_element_type3A_246 = arith.extui %ge3A_245 : i1 to i32
      %cond3A_247 = arith.constant 0 : i32
      %cond3A_248 = arith.cmpi ne, %convert_element_type3A_246, %cond3A_247 : i32
      scf.if %cond3A_248 {
        %dma_wait3A_296 = arith.constant 0 : i32
        %dma_wait3A_297 = tpu.memref_slice %arg4[%mul3A_2, %dma_wait3A_296] : memref<16384x320xf32, #tpu.memory_space<hbm>> -> memref<1x320xf32, #tpu.memory_space<hbm>>
        %dma_wait3A_298 = tpu.memref_squeeze %dma_wait3A_297 : memref<1x320xf32, #tpu.memory_space<hbm>> -> memref<320xf32, #tpu.memory_space<hbm>>
        %dma_wait3A_299 = arith.constant 0 : i32
        %dma_wait3A_300 = tpu.memref_slice %arg4[%mul3A_2, %dma_wait3A_299] : memref<16384x320xf32, #tpu.memory_space<hbm>> -> memref<1x320xf32, #tpu.memory_space<hbm>>
        %dma_wait3A_301 = tpu.memref_squeeze %dma_wait3A_300 : memref<1x320xf32, #tpu.memory_space<hbm>> -> memref<320xf32, #tpu.memory_space<hbm>>
        tpu.wait_dma2 semaphore(%arg13 : memref<!tpu.dma_semaphore, #tpu.memory_space<semaphore_mem>>) src(%arg10 : memref<320xf32, #tpu.memory_space<vmem>>) dst(%dma_wait3A_301 : memref<320xf32, #tpu.memory_space<hbm>>)
      } else {
      }
      %swap3A_249 = arith.constant 0 : index
      %swap3A_250 = tpu.vector_load %arg10[%swap3A_249] {strides = array<i32>} : memref<320xf32, #tpu.memory_space<vmem>>, vector<16xf32>,
      tpu.vector_store %arg10[%swap3A_249], %parallel_loop3A_243#0 {strides = array<i32>} : memref<320xf32, #tpu.memory_space<vmem>>, vector<16xf32>,
      %swap3A_251 = arith.constant 16 : index
      %swap3A_252 = tpu.vector_load %arg10[%swap3A_251] {strides = array<i32>} : memref<320xf32, #tpu.memory_space<vmem>>, vector<16xf32>,
      tpu.vector_store %arg10[%swap3A_251], %parallel_loop3A_243#1 {strides = array<i32>} : memref<320xf32, #tpu.memory_space<vmem>>, vector<16xf32>,
      %swap3A_253 = arith.constant 32 : index
      %swap3A_254 = tpu.vector_load %arg10[%swap3A_253] {strides = array<i32>} : memref<320xf32, #tpu.memory_space<vmem>>, vector<16xf32>,
      tpu.vector_store %arg10[%swap3A_253], %parallel_loop3A_243#2 {strides = array<i32>} : memref<320xf32, #tpu.memory_space<vmem>>, vector<16xf32>,
      %swap3A_255 = arith.constant 48 : index
      %swap3A_256 = tpu.vector_load %arg10[%swap3A_255] {strides = array<i32>} : memref<320xf32, #tpu.memory_space<vmem>>, vector<16xf32>,
      tpu.vector_store %arg10[%swap3A_255], %parallel_loop3A_243#3 {strides = array<i32>} : memref<320xf32, #tpu.memory_space<vmem>>, vector<16xf32>,
      %swap3A_257 = arith.constant 64 : index
      %swap3A_258 = tpu.vector_load %arg10[%swap3A_257] {strides = array<i32>} : memref<320xf32, #tpu.memory_space<vmem>>, vector<16xf32>,
      tpu.vector_store %arg10[%swap3A_257], %parallel_loop3A_243#4 {strides = array<i32>} : memref<320xf32, #tpu.memory_space<vmem>>, vector<16xf32>,
      %swap3A_259 = arith.constant 80 : index
      %swap3A_260 = tpu.vector_load %arg10[%swap3A_259] {strides = array<i32>} : memref<320xf32, #tpu.memory_space<vmem>>, vector<16xf32>,
      tpu.vector_store %arg10[%swap3A_259], %parallel_loop3A_243#5 {strides = array<i32>} : memref<320xf32, #tpu.memory_space<vmem>>, vector<16xf32>,
      %swap3A_261 = arith.constant 96 : index
      %swap3A_262 = tpu.vector_load %arg10[%swap3A_261] {strides = array<i32>} : memref<320xf32, #tpu.memory_space<vmem>>, vector<16xf32>,
      tpu.vector_store %arg10[%swap3A_261], %parallel_loop3A_243#6 {strides = array<i32>} : memref<320xf32, #tpu.memory_space<vmem>>, vector<16xf32>,
      %swap3A_263 = arith.constant 112 : index
      %swap3A_264 = tpu.vector_load %arg10[%swap3A_263] {strides = array<i32>} : memref<320xf32, #tpu.memory_space<vmem>>, vector<16xf32>,
      tpu.vector_store %arg10[%swap3A_263], %parallel_loop3A_243#7 {strides = array<i32>} : memref<320xf32, #tpu.memory_space<vmem>>, vector<16xf32>,
      %swap3A_265 = arith.constant 128 : index
      %swap3A_266 = tpu.vector_load %arg10[%swap3A_265] {strides = array<i32>} : memref<320xf32, #tpu.memory_space<vmem>>, vector<16xf32>,
      tpu.vector_store %arg10[%swap3A_265], %parallel_loop3A_243#8 {strides = array<i32>} : memref<320xf32, #tpu.memory_space<vmem>>, vector<16xf32>,
      %swap3A_267 = arith.constant 144 : index
      %swap3A_268 = tpu.vector_load %arg10[%swap3A_267] {strides = array<i32>} : memref<320xf32, #tpu.memory_space<vmem>>, vector<16xf32>,
      tpu.vector_store %arg10[%swap3A_267], %parallel_loop3A_243#9 {strides = array<i32>} : memref<320xf32, #tpu.memory_space<vmem>>, vector<16xf32>,
      %swap3A_269 = arith.constant 160 : index
      %swap3A_270 = tpu.vector_load %arg10[%swap3A_269] {strides = array<i32>} : memref<320xf32, #tpu.memory_space<vmem>>, vector<16xf32>,
      tpu.vector_store %arg10[%swap3A_269], %parallel_loop3A_243#10 {strides = array<i32>} : memref<320xf32, #tpu.memory_space<vmem>>, vector<16xf32>,
      %swap3A_271 = arith.constant 176 : index
      %swap3A_272 = tpu.vector_load %arg10[%swap3A_271] {strides = array<i32>} : memref<320xf32, #tpu.memory_space<vmem>>, vector<16xf32>,
      tpu.vector_store %arg10[%swap3A_271], %parallel_loop3A_243#11 {strides = array<i32>} : memref<320xf32, #tpu.memory_space<vmem>>, vector<16xf32>,
      %swap3A_273 = arith.constant 192 : index
      %swap3A_274 = tpu.vector_load %arg10[%swap3A_273] {strides = array<i32>} : memref<320xf32, #tpu.memory_space<vmem>>, vector<16xf32>,
      tpu.vector_store %arg10[%swap3A_273], %parallel_loop3A_243#12 {strides = array<i32>} : memref<320xf32, #tpu.memory_space<vmem>>, vector<16xf32>,
      %swap3A_275 = arith.constant 208 : index
      %swap3A_276 = tpu.vector_load %arg10[%swap3A_275] {strides = array<i32>} : memref<320xf32, #tpu.memory_space<vmem>>, vector<16xf32>,
      tpu.vector_store %arg10[%swap3A_275], %parallel_loop3A_243#13 {strides = array<i32>} : memref<320xf32, #tpu.memory_space<vmem>>, vector<16xf32>,
      %swap3A_277 = arith.constant 224 : index
      %swap3A_278 = tpu.vector_load %arg10[%swap3A_277] {strides = array<i32>} : memref<320xf32, #tpu.memory_space<vmem>>, vector<16xf32>,
      tpu.vector_store %arg10[%swap3A_277], %parallel_loop3A_243#14 {strides = array<i32>} : memref<320xf32, #tpu.memory_space<vmem>>, vector<16xf32>,
      %swap3A_279 = arith.constant 240 : index
      %swap3A_280 = tpu.vector_load %arg10[%swap3A_279] {strides = array<i32>} : memref<320xf32, #tpu.memory_space<vmem>>, vector<16xf32>,
      tpu.vector_store %arg10[%swap3A_279], %parallel_loop3A_243#15 {strides = array<i32>} : memref<320xf32, #tpu.memory_space<vmem>>, vector<16xf32>,
      %swap3A_281 = arith.constant 256 : index
      %swap3A_282 = tpu.vector_load %arg10[%swap3A_281] {strides = array<i32>} : memref<320xf32, #tpu.memory_space<vmem>>, vector<16xf32>,
      tpu.vector_store %arg10[%swap3A_281], %parallel_loop3A_243#16 {strides = array<i32>} : memref<320xf32, #tpu.memory_space<vmem>>, vector<16xf32>,
      %swap3A_283 = arith.constant 272 : index
      %swap3A_284 = tpu.vector_load %arg10[%swap3A_283] {strides = array<i32>} : memref<320xf32, #tpu.memory_space<vmem>>, vector<16xf32>,
      tpu.vector_store %arg10[%swap3A_283], %parallel_loop3A_243#17 {strides = array<i32>} : memref<320xf32, #tpu.memory_space<vmem>>, vector<16xf32>,
      %swap3A_285 = arith.constant 288 : index
      %swap3A_286 = tpu.vector_load %arg10[%swap3A_285] {strides = array<i32>} : memref<320xf32, #tpu.memory_space<vmem>>, vector<16xf32>,
      tpu.vector_store %arg10[%swap3A_285], %parallel_loop3A_243#18 {strides = array<i32>} : memref<320xf32, #tpu.memory_space<vmem>>, vector<16xf32>,
      %swap3A_287 = arith.constant 304 : index
      %swap3A_288 = tpu.vector_load %arg10[%swap3A_287] {strides = array<i32>} : memref<320xf32, #tpu.memory_space<vmem>>, vector<16xf32>,
      tpu.vector_store %arg10[%swap3A_287], %parallel_loop3A_243#19 {strides = array<i32>} : memref<320xf32, #tpu.memory_space<vmem>>, vector<16xf32>,
      %add3A_289 = arith.addi %mul3A_2, %add3A_169 : i32
      %dma_start3A_290 = arith.constant 0 : i32
      %dma_start3A_291 = tpu.memref_slice %arg4[%add3A_289, %dma_start3A_290] : memref<16384x320xf32, #tpu.memory_space<hbm>> -> memref<1x320xf32, #tpu.memory_space<hbm>>
      %dma_start3A_292 = tpu.memref_squeeze %dma_start3A_291 : memref<1x320xf32, #tpu.memory_space<hbm>> -> memref<320xf32, #tpu.memory_space<hbm>>
      %dma_start3A_293 = arith.constant 0 : i32
      %dma_start3A_294 = tpu.memref_slice %arg4[%add3A_289, %dma_start3A_293] : memref<16384x320xf32, #tpu.memory_space<hbm>> -> memref<1x320xf32, #tpu.memory_space<hbm>>
      %dma_start3A_295 = tpu.memref_squeeze %dma_start3A_294 : memref<1x320xf32, #tpu.memory_space<hbm>> -> memref<320xf32, #tpu.memory_space<hbm>>
      tpu.enqueue_dma source(%arg10 : memref<320xf32, #tpu.memory_space<vmem>>) target(%dma_start3A_295 : memref<320xf32, #tpu.memory_space<hbm>>) target_semaphore(%arg13 : memref<!tpu.dma_semaphore, #tpu.memory_space<semaphore_mem>>)
    }
    %scan3A_30 = arith.constant 256 : i32
    %dma_wait3A = arith.constant 0 : i32
    %dma_wait3A_31 = tpu.memref_slice %arg4[%mul3A_2, %dma_wait3A] : memref<16384x320xf32, #tpu.memory_space<hbm>> -> memref<1x320xf32, #tpu.memory_space<hbm>>
    %dma_wait3A_32 = tpu.memref_squeeze %dma_wait3A_31 : memref<1x320xf32, #tpu.memory_space<hbm>> -> memref<320xf32, #tpu.memory_space<hbm>>
    %dma_wait3A_33 = arith.constant 0 : i32
    %dma_wait3A_34 = tpu.memref_slice %arg4[%mul3A_2, %dma_wait3A_33] : memref<16384x320xf32, #tpu.memory_space<hbm>> -> memref<1x320xf32, #tpu.memory_space<hbm>>
    %dma_wait3A_35 = tpu.memref_squeeze %dma_wait3A_34 : memref<1x320xf32, #tpu.memory_space<hbm>> -> memref<320xf32, #tpu.memory_space<hbm>>
    tpu.wait_dma2 semaphore(%arg13 : memref<!tpu.dma_semaphore, #tpu.memory_space<semaphore_mem>>) src(%arg9 : memref<320xf32, #tpu.memory_space<vmem>>) dst(%dma_wait3A_35 : memref<320xf32, #tpu.memory_space<hbm>>)
    %dma_wait3A_36 = arith.constant 0 : i32
    %dma_wait3A_37 = tpu.memref_slice %arg4[%mul3A_2, %dma_wait3A_36] : memref<16384x320xf32, #tpu.memory_space<hbm>> -> memref<1x320xf32, #tpu.memory_space<hbm>>
    %dma_wait3A_38 = tpu.memref_squeeze %dma_wait3A_37 : memref<1x320xf32, #tpu.memory_space<hbm>> -> memref<320xf32, #tpu.memory_space<hbm>>
    %dma_wait3A_39 = arith.constant 0 : i32
    %dma_wait3A_40 = tpu.memref_slice %arg4[%mul3A_2, %dma_wait3A_39] : memref<16384x320xf32, #tpu.memory_space<hbm>> -> memref<1x320xf32, #tpu.memory_space<hbm>>
    %dma_wait3A_41 = tpu.memref_squeeze %dma_wait3A_40 : memref<1x320xf32, #tpu.memory_space<hbm>> -> memref<320xf32, #tpu.memory_space<hbm>>
    tpu.wait_dma2 semaphore(%arg13 : memref<!tpu.dma_semaphore, #tpu.memory_space<semaphore_mem>>) src(%arg10 : memref<320xf32, #tpu.memory_space<vmem>>) dst(%dma_wait3A_41 : memref<320xf32, #tpu.memory_space<hbm>>)
    return
  }
}

module attributes {stable_mosaic.version = 14 : i64} {
  func.func @_prep_body(%arg0: i32, %arg1: memref<2048x300xf32, #tpu.memory_space<vmem>>, %arg2: memref<2048x320xbf16, #tpu.memory_space<vmem>>) attributes {dimension_semantics = [#tpu.dimension_semantics<arbitrary>], iteration_bounds = array<i64: 47>, scalar_prefetch = 0 : i64, scratch_operands = 0 : i64, tpu.core_type = #tpu.core_type<tc>, window_params = [{transform_indices = @transform_0, window_bounds = array<i64: 2048, 300>}, {transform_indices = @transform_1, window_bounds = array<i64: 2048, 320>}]} {
    %get3A = arith.constant 0 : index
    %get3A_0 = arith.constant 0 : index
    %get3A_1 = vector.load %arg1[%get3A, %get3A_0] : memref<2048x300xf32, #tpu.memory_space<vmem>>, vector<2048x300xf32>
    %convert_element_type3A = arith.truncf %get3A_1 : vector<2048x300xf32> to vector<2048x300xbf16>
    %broadcast_in_dim3A = arith.constant 0.000000e+00 : bf16
    %broadcast_in_dim3A_2 = vector.broadcast %broadcast_in_dim3A : bf16 to vector<2048x20xbf16>
    %concatenate3A = tpu.concatenate %convert_element_type3A, %broadcast_in_dim3A_2 in 1 : vector<2048x300xbf16>, vector<2048x20xbf16> -> vector<2048x320xbf16>
    %swap3A = arith.constant 0 : index
    %swap3A_3 = arith.constant 0 : index
    %swap3A_4 = vector.load %arg2[%swap3A, %swap3A_3] : memref<2048x320xbf16, #tpu.memory_space<vmem>>, vector<2048x320xbf16>
    tpu.vector_store %arg2[%swap3A, %swap3A_3], %concatenate3A {strides = array<i32>} : memref<2048x320xbf16, #tpu.memory_space<vmem>>, vector<2048x320xbf16>,
    return
  }
  func.func @transform_0(%arg0: i32) -> (i32, i32) {
    %c0_i32 = arith.constant 0 : i32
    %c0_i32_0 = arith.constant 0 : i32
    return %arg0, %c0_i32 : i32, i32
  }
  func.func @transform_1(%arg0: i32) -> (i32, i32) {
    %c0_i32 = arith.constant 0 : i32
    %c0_i32_0 = arith.constant 0 : i32
    return %arg0, %c0_i32 : i32, i32
  }
}

module attributes {stable_mosaic.version = 14 : i64} {
  func.func @_stats_body(%arg0: i32, %arg1: memref<2048x320xf32, #tpu.memory_space<vmem>>, %arg2: memref<320x256xf32, #tpu.memory_space<vmem>>, %arg3: memref<1x256xf32, #tpu.memory_space<vmem>>, %arg4: memref<2x256xf32, #tpu.memory_space<vmem>>, %arg5: memref<2x256xf32, #tpu.memory_space<vmem>>) attributes {dimension_semantics = [#tpu.dimension_semantics<arbitrary>], iteration_bounds = array<i64: 8>, scalar_prefetch = 0 : i64, scratch_operands = 1 : i64, tpu.core_type = #tpu.core_type<tc>, window_params = [{transform_indices = @transform_0, window_bounds = array<i64: 2048, 320>}, {pipeline_mode = #tpu.pipeline_mode<synchronous>, transform_indices = @transform_1, window_bounds = array<i64: 320, 256>}, {pipeline_mode = #tpu.pipeline_mode<synchronous>, transform_indices = @transform_2, window_bounds = array<i64: 1, 256>}, {pipeline_mode = #tpu.pipeline_mode<synchronous>, transform_indices = @transform_3, window_bounds = array<i64: 2, 256>}]} {
    %get3A = arith.constant 0 : index
    %get3A_0 = arith.constant 0 : index
    %get3A_1 = vector.load %arg1[%get3A, %get3A_0] : memref<2048x320xf32, #tpu.memory_space<vmem>>, vector<2048x320xf32>
    %get3A_2 = arith.constant 0 : index
    %get3A_3 = arith.constant 0 : index
    %get3A_4 = vector.load %arg2[%get3A_2, %get3A_3] : memref<320x256xf32, #tpu.memory_space<vmem>>, vector<320x256xf32>
    %dot_general3A = arith.constant dense<0.000000e+00> : vector<2048x256xf32>
    %dot_general3A_5 = tpu.matmul %get3A_1, %get3A_4, %dot_general3A {dimension_numbers = #tpu.dot_dimension_numbers<[1], [0], [0], [1], [0, 0, 1, 1], [], []>, transpose_lhs_hint = false} : vector<2048x320xf32>, vector<320x256xf32>, vector<2048x256xf32> -> vector<2048x256xf32>
    %mul3A = arith.constant 5.000000e-03 : f32
    %mul3A_6 = vector.broadcast %mul3A : f32 to vector<2048x256xf32>
    %mul3A_7 = arith.mulf %dot_general3A_5, %mul3A_6 : vector<2048x256xf32>
    %get3A_8 = arith.constant 0 : index
    %get3A_9 = arith.constant 0 : index
    %get3A_10 = vector.load %arg3[%get3A_8, %get3A_9] : memref<1x256xf32, #tpu.memory_space<vmem>>, vector<1x256xf32>
    %add3A = vector.broadcast %get3A_10 : vector<1x256xf32> to vector<2048x256xf32>
    %add3A_11 = arith.addf %mul3A_7, %add3A : vector<2048x256xf32>
    %reduce_sum3A = arith.constant dense<0.000000e+00> : vector<256xf32>
    %reduce_sum3A_12 = vector.multi_reduction <add>, %add3A_11, %reduce_sum3A [0] : vector<2048x256xf32> to vector<256xf32>
    %broadcast_in_dim3A = vector.shape_cast %reduce_sum3A_12 : vector<256xf32> to vector<1x256xf32>
    %mul3A_13 = arith.mulf %add3A_11, %add3A_11 : vector<2048x256xf32>
    %reduce_sum3A_14 = arith.constant dense<0.000000e+00> : vector<256xf32>
    %reduce_sum3A_15 = vector.multi_reduction <add>, %mul3A_13, %reduce_sum3A_14 [0] : vector<2048x256xf32> to vector<256xf32>
    %broadcast_in_dim3A_16 = vector.shape_cast %reduce_sum3A_15 : vector<256xf32> to vector<1x256xf32>
    %concatenate3A = tpu.concatenate %broadcast_in_dim3A, %broadcast_in_dim3A_16 in 0 : vector<1x256xf32>, vector<1x256xf32> -> vector<2x256xf32>
    %eq3A = arith.constant 0 : i32
    %eq3A_17 = arith.cmpi eq, %arg0, %eq3A : i32
    %convert_element_type3A = arith.extui %eq3A_17 : i1 to i32
    %cond3A = arith.constant 0 : i32
    %cond3A_18 = arith.cmpi ne, %convert_element_type3A, %cond3A : i32
    scf.if %cond3A_18 {
      %swap3A = arith.constant 0 : index
      %swap3A_28 = arith.constant 0 : index
      %swap3A_29 = vector.load %arg5[%swap3A, %swap3A_28] : memref<2x256xf32, #tpu.memory_space<vmem>>, vector<2x256xf32>
      tpu.vector_store %arg5[%swap3A, %swap3A_28], %concatenate3A {strides = array<i32>} : memref<2x256xf32, #tpu.memory_space<vmem>>, vector<2x256xf32>,
    } else {
    }
    %gt3A = arith.constant 0 : i32
    %gt3A_19 = arith.cmpi sgt, %arg0, %gt3A : i32
    %convert_element_type3A_20 = arith.extui %gt3A_19 : i1 to i32
    %cond3A_21 = arith.constant 0 : i32
    %cond3A_22 = arith.cmpi ne, %convert_element_type3A_20, %cond3A_21 : i32
    scf.if %cond3A_22 {
      %get3A_28 = arith.constant 0 : index
      %get3A_29 = arith.constant 0 : index
      %get3A_30 = vector.load %arg5[%get3A_28, %get3A_29] : memref<2x256xf32, #tpu.memory_space<vmem>>, vector<2x256xf32>
      %add3A_31 = arith.addf %get3A_30, %concatenate3A : vector<2x256xf32>
      %swap3A = arith.constant 0 : index
      %swap3A_32 = arith.constant 0 : index
      %swap3A_33 = vector.load %arg5[%swap3A, %swap3A_32] : memref<2x256xf32, #tpu.memory_space<vmem>>, vector<2x256xf32>
      tpu.vector_store %arg5[%swap3A, %swap3A_32], %add3A_31 {strides = array<i32>} : memref<2x256xf32, #tpu.memory_space<vmem>>, vector<2x256xf32>,
    } else {
    }
    %eq3A_23 = arith.constant 7 : i32
    %eq3A_24 = arith.cmpi eq, %arg0, %eq3A_23 : i32
    %convert_element_type3A_25 = arith.extui %eq3A_24 : i1 to i32
    %cond3A_26 = arith.constant 0 : i32
    %cond3A_27 = arith.cmpi ne, %convert_element_type3A_25, %cond3A_26 : i32
    scf.if %cond3A_27 {
      %get3A_28 = arith.constant 0 : index
      %get3A_29 = arith.constant 0 : index
      %get3A_30 = vector.load %arg5[%get3A_28, %get3A_29] : memref<2x256xf32, #tpu.memory_space<vmem>>, vector<2x256xf32>
      %swap3A = arith.constant 0 : index
      %swap3A_31 = arith.constant 0 : index
      %swap3A_32 = vector.load %arg4[%swap3A, %swap3A_31] : memref<2x256xf32, #tpu.memory_space<vmem>>, vector<2x256xf32>
      tpu.vector_store %arg4[%swap3A, %swap3A_31], %get3A_30 {strides = array<i32>} : memref<2x256xf32, #tpu.memory_space<vmem>>, vector<2x256xf32>,
    } else {
    }
    return
  }
  func.func @transform_0(%arg0: i32) -> (i32, i32) {
    %c0_i32 = arith.constant 0 : i32
    %c0_i32_0 = arith.constant 0 : i32
    return %arg0, %c0_i32 : i32, i32
  }
  func.func @transform_1(%arg0: i32) -> (i32, i32) {
    %c0_i32 = arith.constant 0 : i32
    %c0_i32_0 = arith.constant 0 : i32
    %c0_i32_1 = arith.constant 0 : i32
    return %c0_i32, %c0_i32_0 : i32, i32
  }
  func.func @transform_2(%arg0: i32) -> (i32, i32) {
    %c0_i32 = arith.constant 0 : i32
    %c0_i32_0 = arith.constant 0 : i32
    %c0_i32_1 = arith.constant 0 : i32
    return %c0_i32, %c0_i32_0 : i32, i32
  }
  func.func @transform_3(%arg0: i32) -> (i32, i32) {
    %c0_i32 = arith.constant 0 : i32
    %c0_i32_0 = arith.constant 0 : i32
    %c0_i32_1 = arith.constant 0 : i32
    return %c0_i32, %c0_i32_0 : i32, i32
  }
}

module attributes {stable_mosaic.version = 14 : i64} {
  func.func @_apply_body(%arg0: i32, %arg1: memref<2048x320xf32, #tpu.memory_space<vmem>>, %arg2: memref<320x256xf32, #tpu.memory_space<vmem>>, %arg3: memref<1x256xf32, #tpu.memory_space<vmem>>, %arg4: memref<2x256xf32, #tpu.memory_space<vmem>>, %arg5: memref<1x256xf32, #tpu.memory_space<vmem>>, %arg6: memref<1x256xf32, #tpu.memory_space<vmem>>, %arg7: memref<256x4xf32, #tpu.memory_space<vmem>>, %arg8: memref<1x4xf32, #tpu.memory_space<vmem>>, %arg9: memref<2048x4xf32, #tpu.memory_space<vmem>>) attributes {dimension_semantics = [#tpu.dimension_semantics<arbitrary>], iteration_bounds = array<i64: 8>, scalar_prefetch = 0 : i64, scratch_operands = 0 : i64, tpu.core_type = #tpu.core_type<tc>, window_params = [{transform_indices = @transform_0, window_bounds = array<i64: 2048, 320>}, {pipeline_mode = #tpu.pipeline_mode<synchronous>, transform_indices = @transform_1, window_bounds = array<i64: 320, 256>}, {pipeline_mode = #tpu.pipeline_mode<synchronous>, transform_indices = @transform_2, window_bounds = array<i64: 1, 256>}, {pipeline_mode = #tpu.pipeline_mode<synchronous>, transform_indices = @transform_3, window_bounds = array<i64: 2, 256>}, {pipeline_mode = #tpu.pipeline_mode<synchronous>, transform_indices = @transform_4, window_bounds = array<i64: 1, 256>}, {pipeline_mode = #tpu.pipeline_mode<synchronous>, transform_indices = @transform_5, window_bounds = array<i64: 1, 256>}, {pipeline_mode = #tpu.pipeline_mode<synchronous>, transform_indices = @transform_6, window_bounds = array<i64: 256, 4>}, {pipeline_mode = #tpu.pipeline_mode<synchronous>, transform_indices = @transform_7, window_bounds = array<i64: 1, 4>}, {transform_indices = @transform_8, window_bounds = array<i64: 2048, 4>}]} {
    %get3A = arith.constant 0 : index
    %get3A_0 = arith.constant 0 : index
    %get3A_1 = vector.load %arg1[%get3A, %get3A_0] : memref<2048x320xf32, #tpu.memory_space<vmem>>, vector<2048x320xf32>
    %get3A_2 = arith.constant 0 : index
    %get3A_3 = arith.constant 0 : index
    %get3A_4 = vector.load %arg2[%get3A_2, %get3A_3] : memref<320x256xf32, #tpu.memory_space<vmem>>, vector<320x256xf32>
    %dot_general3A = arith.constant dense<0.000000e+00> : vector<2048x256xf32>
    %dot_general3A_5 = tpu.matmul %get3A_1, %get3A_4, %dot_general3A {dimension_numbers = #tpu.dot_dimension_numbers<[1], [0], [0], [1], [0, 0, 1, 1], [], []>, transpose_lhs_hint = false} : vector<2048x320xf32>, vector<320x256xf32>, vector<2048x256xf32> -> vector<2048x256xf32>
    %mul3A = arith.constant 5.000000e-03 : f32
    %mul3A_6 = vector.broadcast %mul3A : f32 to vector<2048x256xf32>
    %mul3A_7 = arith.mulf %dot_general3A_5, %mul3A_6 : vector<2048x256xf32>
    %get3A_8 = arith.constant 0 : index
    %get3A_9 = arith.constant 0 : index
    %get3A_10 = vector.load %arg3[%get3A_8, %get3A_9] : memref<1x256xf32, #tpu.memory_space<vmem>>, vector<1x256xf32>
    %add3A = vector.broadcast %get3A_10 : vector<1x256xf32> to vector<2048x256xf32>
    %add3A_11 = arith.addf %mul3A_7, %add3A : vector<2048x256xf32>
    %get3A_12 = arith.constant 0 : index
    %get3A_13 = arith.constant 0 : index
    %get3A_14 = vector.load %arg4[%get3A_12, %get3A_13] : memref<2x256xf32, #tpu.memory_space<vmem>>, vector<1x256xf32>
    %mul3A_15 = arith.constant 6.10351563E-5 : f32
    %mul3A_16 = vector.broadcast %mul3A_15 : f32 to vector<1x256xf32>
    %mul3A_17 = arith.mulf %get3A_14, %mul3A_16 : vector<1x256xf32>
    %get3A_18 = arith.constant 1 : index
    %get3A_19 = arith.constant 0 : index
    %get3A_20 = vector.load %arg4[%get3A_18, %get3A_19] : memref<2x256xf32, #tpu.memory_space<vmem>>, vector<1x256xf32>
    %mul3A_21 = arith.constant 6.10351563E-5 : f32
    %mul3A_22 = vector.broadcast %mul3A_21 : f32 to vector<1x256xf32>
    %mul3A_23 = arith.mulf %get3A_20, %mul3A_22 : vector<1x256xf32>
    %mul3A_24 = arith.mulf %mul3A_17, %mul3A_17 : vector<1x256xf32>
    %sub3A = arith.subf %mul3A_23, %mul3A_24 : vector<1x256xf32>
    %add3A_25 = arith.constant 9.99999974E-6 : f32
    %add3A_26 = vector.broadcast %add3A_25 : f32 to vector<1x256xf32>
    %add3A_27 = arith.addf %sub3A, %add3A_26 : vector<1x256xf32>
    %rsqrt3A = math.rsqrt %add3A_27 : vector<1x256xf32>
    %sub3A_28 = vector.broadcast %mul3A_17 : vector<1x256xf32> to vector<2048x256xf32>
    %sub3A_29 = arith.subf %add3A_11, %sub3A_28 : vector<2048x256xf32>
    %get3A_30 = arith.constant 0 : index
    %get3A_31 = arith.constant 0 : index
    %get3A_32 = vector.load %arg5[%get3A_30, %get3A_31] : memref<1x256xf32, #tpu.memory_space<vmem>>, vector<1x256xf32>
    %mul3A_33 = arith.mulf %get3A_32, %rsqrt3A : vector<1x256xf32>
    %mul3A_34 = vector.broadcast %mul3A_33 : vector<1x256xf32> to vector<2048x256xf32>
    %mul3A_35 = arith.mulf %sub3A_29, %mul3A_34 : vector<2048x256xf32>
    %get3A_36 = arith.constant 0 : index
    %get3A_37 = arith.constant 0 : index
    %get3A_38 = vector.load %arg6[%get3A_36, %get3A_37] : memref<1x256xf32, #tpu.memory_space<vmem>>, vector<1x256xf32>
    %add3A_39 = vector.broadcast %get3A_38 : vector<1x256xf32> to vector<2048x256xf32>
    %add3A_40 = arith.addf %mul3A_35, %add3A_39 : vector<2048x256xf32>
    %max3A = arith.constant 0.000000e+00 : f32
    %max3A_41 = vector.broadcast %max3A : f32 to vector<2048x256xf32>
    %max3A_42 = arith.maximumf %add3A_40, %max3A_41 : vector<2048x256xf32>
    %get3A_43 = arith.constant 0 : index
    %get3A_44 = arith.constant 0 : index
    %get3A_45 = vector.load %arg7[%get3A_43, %get3A_44] : memref<256x4xf32, #tpu.memory_space<vmem>>, vector<256x4xf32>
    %dot_general3A_46 = arith.constant dense<0.000000e+00> : vector<2048x4xf32>
    %dot_general3A_47 = tpu.matmul %max3A_42, %get3A_45, %dot_general3A_46 {dimension_numbers = #tpu.dot_dimension_numbers<[1], [0], [0], [1], [0, 0, 1, 1], [], []>, transpose_lhs_hint = false} : vector<2048x256xf32>, vector<256x4xf32>, vector<2048x4xf32> -> vector<2048x4xf32>
    %get3A_48 = arith.constant 0 : index
    %get3A_49 = arith.constant 0 : index
    %get3A_50 = vector.load %arg8[%get3A_48, %get3A_49] : memref<1x4xf32, #tpu.memory_space<vmem>>, vector<1x4xf32>
    %add3A_51 = vector.broadcast %get3A_50 : vector<1x4xf32> to vector<2048x4xf32>
    %add3A_52 = arith.addf %dot_general3A_47, %add3A_51 : vector<2048x4xf32>
    %swap3A = arith.constant 0 : index
    %swap3A_53 = arith.constant 0 : index
    %swap3A_54 = vector.load %arg9[%swap3A, %swap3A_53] : memref<2048x4xf32, #tpu.memory_space<vmem>>, vector<2048x4xf32>
    tpu.vector_store %arg9[%swap3A, %swap3A_53], %add3A_52 {strides = array<i32>} : memref<2048x4xf32, #tpu.memory_space<vmem>>, vector<2048x4xf32>,
    return
  }
  func.func @transform_0(%arg0: i32) -> (i32, i32) {
    %c0_i32 = arith.constant 0 : i32
    %c0_i32_0 = arith.constant 0 : i32
    return %arg0, %c0_i32 : i32, i32
  }
  func.func @transform_1(%arg0: i32) -> (i32, i32) {
    %c0_i32 = arith.constant 0 : i32
    %c0_i32_0 = arith.constant 0 : i32
    %c0_i32_1 = arith.constant 0 : i32
    return %c0_i32, %c0_i32_0 : i32, i32
  }
  func.func @transform_2(%arg0: i32) -> (i32, i32) {
    %c0_i32 = arith.constant 0 : i32
    %c0_i32_0 = arith.constant 0 : i32
    %c0_i32_1 = arith.constant 0 : i32
    return %c0_i32, %c0_i32_0 : i32, i32
  }
  func.func @transform_3(%arg0: i32) -> (i32, i32) {
    %c0_i32 = arith.constant 0 : i32
    %c0_i32_0 = arith.constant 0 : i32
    %c0_i32_1 = arith.constant 0 : i32
    return %c0_i32, %c0_i32_0 : i32, i32
  }
  func.func @transform_4(%arg0: i32) -> (i32, i32) {
    %c0_i32 = arith.constant 0 : i32
    %c0_i32_0 = arith.constant 0 : i32
    %c0_i32_1 = arith.constant 0 : i32
    return %c0_i32, %c0_i32_0 : i32, i32
  }
  func.func @transform_5(%arg0: i32) -> (i32, i32) {
    %c0_i32 = arith.constant 0 : i32
    %c0_i32_0 = arith.constant 0 : i32
    %c0_i32_1 = arith.constant 0 : i32
    return %c0_i32, %c0_i32_0 : i32, i32
  }
  func.func @transform_6(%arg0: i32) -> (i32, i32) {
    %c0_i32 = arith.constant 0 : i32
    %c0_i32_0 = arith.constant 0 : i32
    %c0_i32_1 = arith.constant 0 : i32
    return %c0_i32, %c0_i32_0 : i32, i32
  }
  func.func @transform_7(%arg0: i32) -> (i32, i32) {
    %c0_i32 = arith.constant 0 : i32
    %c0_i32_0 = arith.constant 0 : i32
    %c0_i32_1 = arith.constant 0 : i32
    return %c0_i32, %c0_i32_0 : i32, i32
  }
  func.func @transform_8(%arg0: i32) -> (i32, i32) {
    %c0_i32 = arith.constant 0 : i32
    %c0_i32_0 = arith.constant 0 : i32
    return %arg0, %c0_i32 : i32, i32
  }
}

</mosaic_0001>

<sc_bundles>
// kernel: kernel.6.cloned.1.call-start
scs
__scs_entry_jumppad:
0x0: {  	(pc) =	sbr.rel $0x88, $3  }
0x1: {  	(tag) =	ssettag $0x0;
	lr =	simm.s32 $0x1  }
0x2: {  	[smem:$0x3F99] =	sst lr;
	_ =	strace $0xD0000000  }
0x3: {  	_ = 	snop  }
0x4: {  	_ = 	snop  }
0x5: {  	_ = 	snop  }
0x6: {  	_ = 	snop  }
0x7: {  	_ = 	snop  }
__scs_overlays_trampoline_lowered:
0x8: {  	[smem:$0x3FA8] =	sst s0  }
0x9: {  	[smem:$0x3FA9] =	sst s1  }
0xa: {  	[smem:$0x3FAA] =	sst s2  }
0xb: {  	[smem:$0x3FAB] =	sst s3  }
0xc: {  	[smem:$0x3FAC] =	sst s4  }
0xd: {  	[smem:$0x3FAD] =	sst s5  }
0xe: {  	[smem:$0x3FAE] =	sst s6  }
0xf: {  	[smem:$0x3FAF] =	sst s7  }
0x10: {  	[smem:$0x3FB0] =	sst s8  }
0x11: {  	[smem:$0x3FB1] =	sst s9;
	s0 =	simm.s32 @!p0 $0x0  }
0x12: {  	s1 =	sld [smem:$0x3F97];
	s0 =	simm.s32 @p0 $0x1  }
0x13: {  	[smem:$0x3FB2] =	sst s0;
	s0 =	simm.s32 @!p1 $0x0  }
0x14: {  	s2 =	sld [smem:$0x3F96];
	s0 =	simm.s32 @p1 $0x1  }
0x15: {  	[smem:$0x3FB3] =	sst s0;
	s0 =	simm.s32 @!p2 $0x0  }
0x16: {  	s3 =	sld [smem:$0x3FDB];
	s0 =	simm.s32 @p2 $0x1  }
0x17: {  	s4 =	simm.s32 $0x1BF5;
	[smem:$0x3FB5] =	sst s0  }
0x18: {  	s0 =	sld [smem:$0x3F98];
	_ =	swait.ge [sflag:s4], $0x0  }
0x19: {  	s7 =	sld [smem:$0x3F99]  }
0x1a: {  	s8 =	sadd.s32 $0xFFFFE003, lr  }
0x1b: {  	s9 =	sadd.s32 $0xFFFFFEF7, lr;
	s5 =	simm.s32 $0xFFFFFFFF;
	p2 =	slt.u32 s8, $0xFFFFF086  }
0x1c: {  	p1 =	slt.u32 s9, $0xF7A;
	s5 =	simm.s32 @!p2 $0x0  }
0x1d: {  	s5 =	simm.s32 @p1 $0x1;
	p0 =	seq.s32 s7, s2  }
0x1e: {  	s7 =	smul.u32 @!p0 $0xF7A, s2;
	p2 =	seq.s32 @!p0 s5, $0x0  }
0x1f: {  	s9 =	smul.u32 $0xF7A, s1;
	s8 =	simm.s32 @!p0 $0x1BF5;
	p2 =	por !p2, p0  }
0x20: {  	[sflag:s8] =	ssyncset.s32 @!p0 $0xFFFFF086;
	s6 =	sadd.s32 @!p0 s3, s7;
	s7 =	simm.s32 @!p0 $0x108  }
0x21: {  	s3 =	sadd.s32 s3, s9;
	s6 =	sadd.s32 @!p0 $0x88, s6;
	s7 =	simm.s32 @p2 $0x1082  }
0x22: {  	[simem:s7], [sflag:s8] =	dma.local @!p0 [hbm:s6], $0xF7A  }
0x23: {  	s9 =	sor.u32 $0xD0000000, s2;
	s6 =	simm.s32 $0x108;
	_ =	swait.ge @!p0 [sflag:s8], $0x0  }
0x24: {  	s3 =	sadd.s32 $0x88, s3;
	s6 =	simm.s32 @!p1 $0x1082;
	[sflag:s4] =	ssyncset.s32 $0xFFFFF086  }
0x25: {  	[simem:s6], [sflag:s4] =	dma.local [hbm:s3], $0xF7A  }
0x26: {  	[smem:$0x3F99] =	sst s1;
	(tag) =	ssettag s2;
	_ =	strace s9  }
0x27: {  	s1 =	sld [smem:$0x3FA9]  }
0x28: {  	s2 =	sld [smem:$0x3FAA]  }
0x29: {  	s4 =	sld [smem:$0x3FAC]  }
0x2a: {  	p0 =	seq.s32 s5, $0x0;
	s5 =	sld [smem:$0x3FAD]  }
0x2b: {  	s6 =	sld [smem:$0x3FAE]  }
0x2c: {  	s7 =	sld [smem:$0x3FAF]  }
0x2d: {  	s3 =	simm.s32 $0x108;
	s8 =	sld [smem:$0x3FB0]  }
0x2e: {  	s3 =	simm.s32 @!p0 $0x1082;
	s9 =	sld [smem:$0x3FB1]  }
0x2f: {  	lr =	sadd.s32 s0, s3;
	s0 =	sld [smem:$0x3FA8]  }
0x30: {  	s3 =	sld [smem:$0x3FAB]  }
0x31: {  	[smem:$0x3FB4] =	sst s10  }
0x32: {  	s10 =	sld [smem:$0x3FB2];
	_ =	sdelay $0x3  }
0x33: {  	p0 =	seq.s32 s10, $0x1;
	s10 =	sld [smem:$0x3FB4];
	_ =	sdelay $0x3  }
0x34: {  	[smem:$0x3FB4] =	sst s10  }
0x35: {  	s10 =	sld [smem:$0x3FB3];
	_ =	sdelay $0x3  }
0x36: {  	p1 =	seq.s32 s10, $0x1;
	s10 =	sld [smem:$0x3FB4];
	_ =	sdelay $0x3  }
0x37: {  	[smem:$0x3FB4] =	sst s10  }
0x38: {  	s10 =	sld [smem:$0x3FB5]  }
0x39: {  	_ = 	snop;
	(pc) =	sbr.ind lr, $3  }
0x3a: {  	_ = 	snop  }
0x3b: {  	_ = 	snop  }
0x3c: {  	p2 =	seq.s32 s10, $0x1;
	s10 =	sld [smem:$0x3FB4]  }
0x3d: {  	_ =	shalt  }
0x3e: {  	_ =	shalt  }
0x3f: {  	_ =	shalt  }
0x40: {  	_ =	shalt  }
0x41: {  	_ =	shalt  }
0x42: {  	_ =	shalt  }
0x43: {  	_ =	shalt  }
0x44: {  	_ =	shalt  }
0x45: {  	_ =	shalt  }
0x46: {  	_ =	shalt  }
0x47: {  	_ =	shalt  }
0x48: {  	_ =	shalt  }
0x49: {  	_ =	shalt  }
0x4a: {  	_ =	shalt  }
0x4b: {  	_ =	shalt  }
0x4c: {  	_ =	shalt  }
0x4d: {  	_ =	shalt  }
0x4e: {  	_ =	shalt  }
0x4f: {  	_ =	shalt  }
0x50: {  	_ =	shalt  }
0x51: {  	_ =	shalt  }
0x52: {  	_ =	shalt  }
0x53: {  	_ =	shalt  }
0x54: {  	_ =	shalt  }
0x55: {  	_ =	shalt  }
0x56: {  	_ =	shalt  }
0x57: {  	_ =	shalt  }
0x58: {  	_ =	shalt  }
0x59: {  	_ =	shalt  }
0x5a: {  	_ =	shalt  }
0x5b: {  	_ =	shalt  }
0x5c: {  	_ =	shalt  }
0x5d: {  	_ =	shalt  }
0x5e: {  	_ =	shalt  }
0x5f: {  	_ =	shalt  }
0x60: {  	_ =	shalt  }
0x61: {  	_ =	shalt  }
0x62: {  	_ =	shalt  }
0x63: {  	_ =	shalt  }
0x64: {  	_ =	shalt  }
0x65: {  	_ =	shalt  }
0x66: {  	_ =	shalt  }
0x67: {  	_ =	shalt  }
0x68: {  	_ =	shalt  }
0x69: {  	_ =	shalt  }
0x6a: {  	_ =	shalt  }
0x6b: {  	_ =	shalt  }
0x6c: {  	_ =	shalt  }
0x6d: {  	_ =	shalt  }
0x6e: {  	_ =	shalt  }
0x6f: {  	_ =	shalt  }
0x70: {  	_ =	shalt  }
0x71: {  	_ =	shalt  }
0x72: {  	_ =	shalt  }
0x73: {  	_ =	shalt  }
0x74: {  	_ =	shalt  }
0x75: {  	_ =	shalt  }
0x76: {  	_ =	shalt  }
0x77: {  	_ =	shalt  }
0x78: {  	_ =	shalt  }
0x79: {  	_ =	shalt  }
0x7a: {  	_ =	shalt  }
0x7b: {  	_ =	shalt  }
0x7c: {  	_ =	shalt  }
0x7d: {  	_ =	shalt  }
0x7e: {  	_ =	shalt  }
0x7f: {  	_ =	shalt  }
0x80: {  	_ =	shalt  }
0x81: {  	_ =	shalt  }
0x82: {  	_ =	shalt  }
0x83: {  	_ =	shalt  }
0x84: {  	_ =	shalt  }
0x85: {  	_ =	shalt  }
0x86: {  	_ =	shalt  }
0x87: {  	_ =	shalt  }
.Lfunc_end0:
.L_simem_size_0:
called_computation_lowered:
.L_overlay_start_0:
0x88: {  	s2 =	sld [smem:$0x3FD9]  }
0x89: {  	s3 =	sld [smem:$0x3FFE];
	_ =	sdelay $0x1  }
0x8a: {  	s1 =	srdreg.scid  }
0x8b: {  	s0 =	sand.u32 $0x1, s1  }
0x8c: {  	s16 =	sshll.u32 s0, $0xA;
	s2 =	sadd.s32 s3, s2  }
0x8d: {  	s2 =	sadd.s32 s2, s16  }
0x8e: {  	[smem:$0x3FC0] =	sst s2  }
0x8f: {  	_ = 	snop  }
0x90: {  	(tm) =	ssettm $0x1  }
0x91: {  	s17 =	sld [smem:$0x3FFB];
	_ =	sdelay $0x3  }
0x92: {  	_ =	strace s17  }
0x93: {  	s2 =	sld [smem:$0x3FFC];
	_ =	sdelay $0x3  }
0x94: {  	_ =	strace s2  }
0x95: {  	s2 =	sld [smem:$0x3FFD];
	_ =	sdelay $0x3  }
0x96: {  	_ =	strace s2  }
0x97: {  	_ =	strace $0x8FFFFFFF  }
0x98: {  	s18 =	sld [smem:$0x3FDB];
	_ =	sdelay $0x1  }
0x99: {  	s19 =	simm.s32 $_scs_section_size  }
0x9a: {  	s4 =	simm.s32 $_size__tile_overlayer_lowered;
	s5 =	simm.s32 $_tile_overlayer_lowered  }
0x9b: {  	s22 =	simm.s32 $0x1BFF;
	s21 =	sshll.u32 s5, $0x1;
	s2 =	sadd.s32 s19, s18  }
0x9c: {  	s6 =	simm.s32 $0x0;
	s20 =	sshll.u32 s4, $0x1;
	s4 =	sadd.s32 s21, s2  }
0x9d: {  	[timem:s6], [sflag:s22] =	dma.local [hbm:s4], s20  }
0x9e: {  	_ =	swait.ge [sflag:s22], s20  }
0x9f: {  	s3 =	ssub.s32 $0x0, s20;
	[sflag:s22] =	ssyncset.done $0x0  }
0xa0: {  	[sflag:s22] =	ssyncadd.s32 s3;
	_ =	sdelay $0x1  }
0xa1: {  	s23 =	simm.s32 $0x1B8B  }
0xa2: {  	_ =	swait.ge [sflag:s23], $0x1  }
0xa3: {  	[sflag:s23] =	ssyncset.done $0x0  }
0xa4: {  	s25 =	simm.s32 $0x1B8E;
	s24 =	sld [smem:$0x3FFE];
	[sflag:s23] =	ssyncadd.s32 $0xFFFFFFFF  }
0xa5: {  	s26 =	simm.s32 $execute0_lowered;
	[smem:$0x3FD2] =	sst s25  }
0xa6: {  	s4 =	sshll.u32 s26, $0x1;
	_ =	strace $0x80000046;
	[dreg:$0x1] =	wrdreg $0xFFFFFFFF  }
0xa7: {  	s28 =	simm.s32 $_size_execute0_lowered;
	s2 =	sadd.s32 s2, s4;
	[dreg:$0x0] =	wrdreg $0x0  }
0xa8: {  	s4 =	sshll.u32 s28, $0x1;
	[dreg:$0x2] =	wrdreg s2  }
0xa9: {  	[dreg:$0x3] =	wrdreg s4  }
0xaa: {  	[dreg:$0x4] =	wrdreg $0xC0  }
0xab: {  	_ =	task [dreg:s6], $0x5FFFF  }
0xac: {  	[dreg:$0x1] =	wrdreg $0xFFFFFFFF  }
0xad: {  	[dreg:$0x0] =	wrdreg $0x60  }
0xae: {  	[dreg:$0x2] =	wrdreg s24  }
0xaf: {  	[dreg:$0x3] =	wrdreg $0x9  }
0xb0: {  	_ =	task.clear_ibuf [dreg:s6], $0x4FFFF;
	_ =	strace $0x90000046  }
0xb1: {  	s29 =	simm.s32 $0x9;
	_ =	strace $0x80000048  }
0xb2: {  	_ =	swait.ge [sflag:s29], $0x1  }
0xb3: {  	[sflag:s29] =	ssyncadd.s32 $0xFFFFFFFF  }
0xb4: {  	_ =	strace $0x90000048  }
0xb5: {  	_ =	sfence  }
0xb6: {  	s30 =	sld [smem:$0x0];
	_ =	sdelay $0x2  }
0xb7: {  	s31 =	sshll.u32 s1, $0xD;
	s1 =	sshrl.u32 s1, $0x2  }
0xb8: {  	s3 =	sand.u32 $0x4000, s31;
	s1 =	sadd.s32 s1, s30  }
0xb9: {  	s0 =	sor.u32 s3, s0;
	s1 =	sshll.u32 s1, $0x11  }
0xba: {  	s0 =	sor.u32 s1, s0  }
0xbb: {  	s0 =	sadd.s32 $0x8F2B, s0  }
0xbc: {  	[sflag:s0] =	ssyncadd.remote.s32 $0x1  }
0xbd: {  	_ =	sfence.sel $0xFFFF  }
0xbe: {  	[dreg:$0x0] =	wrdreg $0xFFFFFFFF;
	(pc) =	sbr.abs _section_cstart, $3  }
0xbf: {  	[dreg:$0x1] =	wrdreg $0xFFFFFFFF  }
0xc0: {  	_ =	task.clear_ibuf [dreg:s6], $0x2FFFF;
	_ =	strace $0x9FFFFFFF  }
0xc1: {  	(tm) =	ssettm $0x7FFFFFFF  }
tec
execute0_lowered:
.L_overlay_start_1:
0x0: {  	(tag) =	ssettag $0x1  }
0x1: {  	s1 =	srdreg.scid  }
0x2: {  	s0 =	stileid.u32;
	s7 =	rddreg [dreg:$0x0]  }
0x3: {  	s2 =	simm.s32 $0x0;
	s10 =	simm.s32 $0x4;
	s11 =	simm.s32 $0x68  }
0x4: {  	s12 =	simm.s32 $0x190;
	s13 =	simm.s32 $0x60;
	s14 =	simm.s32 $0x4290  }
0x5: {  	s15 =	simm.s32 $0xC8;
	s16 =	simm.s32 $0x2;
	s17 =	simm.s32 $0x7E90  }
0x6: {  	s18 =	simm.s32 $0x130;
	s19 =	simm.s32 $0xBF90;
	s20 =	simm.s32 $0x1  }
0x7: {  	s21 =	simm.s32 $0xFB90;
	s22 =	simm.s32 $0xFCD0;
	s4 =	sand.u32 $0x1, s1  }
0x8: {  	s23 =	simm.s32 $0x3;
	s3 =	sshll.u32 s0, $0xA;
	s5 =	sshll.u32 s4, $0x9  }
0x9: {  	s24 =	simm.s32 $0x0;
	s1 =	rddreg [dreg:$0x1];
	s3 =	sor.u32 s5, s3  }
0xa: {  	[smem:$0x7FF] =	sst s2;
	s6 =	ssub.s32 $0x2, s4;
	s8 =	smul.u32 $0x19, s3  }
0xb: {  	_ =	strace $0x80000047;
	s4 =	sadd.s32 $0x1D6000, s7;
	s9 =	sshrl.u32 s6, $0x1  }
0xc: {  	s5 =	sadd.s32 $0x2200, s7;
	s9 =	ssub.s32 s6, s9;
	s6 =	sadd.s32 s4, s8  }
0xd: {  	s7 =	sadd.s32 $0x23A000, s7;
	s9 =	smax.u32 s9, $0x1;
	s8 =	sadd.s32 $0x19, s6  }
.LBB2_1:
0xe: {  	[tilespmem:s2], [sflag:$0x4] =	stream.linear.gather [hbm4b:s6+s2], $0xC8, $0x38;
	[tilespmem:$0xFE10] =	vst v63  }
0xf: {  	_ =	swait.ge [sflag:s10], $0xC8  }
0x10: {  	[sflag:s10] =	ssyncset.done $0x0  }
0x11: {  	[sflag:s10] =	ssyncadd.s32 $0xFFFFFF38  }
0x12: {  	[tilespmem:s12], [sflag:$0x1] =	stream.indirect.gather [hbm4b:s5+s11], $0xA0, s2, s11, $0xb8;
	[tilespmem:$0xFE10] =	vst v63  }
0x13: {  	_ = 	snop  }
0x14: {  	[tilespmem:s14], [sflag:$0x1] =	stream.indirect.gather [hbm4b:s5+s13], $0xA0, s11, s13, $0xb8;
	[tilespmem:$0xFE10] =	vst v63  }
0x15: {  	s25 =	simm.s32 $0x0  }
0x16: {  	[tilespmem:s15], [sflag:$0x2] =	stream.linear.gather [hbm4b:s8+s2], $0xC8, $0x38;
	[tilespmem:$0xFE10] =	vst v63  }
.LBB2_2:
0x17: {  	_ =	swait.ge [sflag:s16], $0xC8  }
0x18: {  	[sflag:s16] =	ssyncset.done $0x0  }
0x19: {  	[sflag:s16] =	ssyncadd.s32 $0xFFFFFF38  }
0x1a: {  	[tilespmem:s17], [sflag:$0x1] =	stream.indirect.gather [hbm4b:s5+s11], $0xA0, s15, s11, $0xb8;
	[tilespmem:$0xFE10] =	vst v63  }
0x1b: {  	s28 =	sshll.u32 s25, $0x1;
	p1 =	seq.s32 s25, $0xFF  }
0x1c: {  	[tilespmem:s19], [sflag:$0x1] =	stream.indirect.gather [hbm4b:s5+s13], $0xA0, s18, s13, $0xb8;
	[tilespmem:$0xFE10] =	vst v63  }
0x1d: {  	s26 =	sadd.s32 @!p1 s3, s28;
	_ =	swait.ge [sflag:s20], $0x4100  }
0x1e: {  	s26 =	smul.u32 @!p1 $0xC8, s26;
	[sflag:s20] =	ssyncset.done $0x0  }
0x1f: {  	[sflag:s20] =	ssyncadd.s32 $0xFFFFBF00  }
0x20: {  	s26 =	sshrl.u32 @!p1 s26, $0x3;
	_ =	swait.ge [sflag:s20], $0x3C00  }
0x21: {  	s30 =	simm.s32 $0x2D0;
	s26 =	sadd.s32 @!p1 s4, s26;
	[sflag:s20] =	ssyncset.done $0x0  }
0x22: {  	s29 =	simm.s32 @!p1 $0x0;
	s26 =	sadd.s32 @!p1 $0x32, s26;
	[sflag:s20] =	ssyncadd.s32 $0xFFFFC400  }
0x23: {  	[tilespmem:s29], [sflag:$0x2] =	stream.linear.gather @!p1 [hbm4b:s26+s29], $0xC8, $0x38;
	[tilespmem:$0xFE10] =	vst v63  }
0x24: {  	v0 =	vld [tilespmem:s30+$0xD0]  }
0x25: {  	v1 =	vld [tilespmem:s30+$0xFFFFFFF0]  }
0x26: {  	v2 =	vld [tilespmem:s30+$0x130]  }
0x27: {  	v3 =	vld [tilespmem:s30+$0x30]  }
0x28: {  	v5 =	vld [tilespmem:s30+$0x90]  }
0x29: {  	v6 =	vld [tilespmem:s30+$0x40]  }
0x2a: {  	v7 =	vld [tilespmem:s30+$0x60]  }
0x2b: {  	v8 =	vld [tilespmem:s30+$0x100]  }
0x2c: {  	v9 =	vld [tilespmem:s30+$0x50]  }
0x2d: {  	v10 =	vld [tilespmem:s30+$0xF0]  }
0x2e: {  	v11 =	vld [tilespmem:s30+$0xE0]  }
0x2f: {  	v4 =	vld [tilespmem:s30+$0xFFFFFF50]  }
0x30: {  	v12 =	vld [tilespmem:s30+$0xFFFFFFE0]  }
0x31: {  	v13 =	vld [tilespmem:s30+$0xFFFFFF40]  }
0x32: {  	v14 =	vld [tilespmem:s30+$0xFFFFFFD0]  }
0x33: {  	v15 =	vld [tilespmem:s30+$0xFFFFFF30];
	_ =	sdelay $0x1  }
0x34: {  	v16 =	vadd.bf16 v0, v3;
	v3 =	vld [tilespmem:s30+$0xFFFFFFC0];
	v0 =	vadd.bf16 v1, v4  }
0x35: {  	v1 =	vadd.bf16 v8, v7;
	v8 =	vadd.bf16 v10, v9;
	v7 =	vld [tilespmem:s30+$0xFFFFFF20]  }
0x36: {  	v4 =	vimm.f32 $0.0e+00;
	v11 =	vadd.bf16 v11, v6;
	v6 =	vld [tilespmem:s30+$0xFFFFFFB0];
	v9 =	vadd.bf16 v12, v13  }
0x37: {  	v2 =	vadd.bf16 v2, v5;
	v12 =	vld [tilespmem:s30+$0xFFFFFF10];
	v14 =	vadd.bf16 v14, v15;
	v5 =	vunpack.i.l.bf16.f32 v0  }
0x38: {  	v17 =	vld [tilespmem:s30+$0xFFFFFFA0];
	v0 =	vunpack.i.u.bf16.f32 v0;
	v15 =	vunpack.i.u.bf16.f32 v9;
	v24 =	vunpack.i.u.bf16.f32 v11  }
0x39: {  	v18 =	vld [tilespmem:s30+$0xFFFFFF90];
	v11 =	vunpack.i.l.bf16.f32 v11;
	v31 =	vunpack.i.u.bf16.f32 v16;
	v10 =	vadd.f32 v5, v4  }
0x3a: {  	v13 =	vadd.f32 v0, v4;
	v0 =	vunpack.i.l.bf16.f32 v2;
	v5 =	vunpack.i.l.bf16.f32 v9;
	v9 =	vld [tilespmem:s30+$0xFFFFFF00]  }
0x3b: {  	v19 =	vld [tilespmem:s30+$0xFFFFFEF0];
	v2 =	vunpack.i.u.bf16.f32 v2;
	v5 =	vadd.f32 v5, v4;
	v0 =	vadd.f32 v0, v10  }
0x3c: {  	v20 =	vld [tilespmem:s30+$0xFFFFFF80];
	v10 =	vunpack.i.l.bf16.f32 v14;
	v3 =	vadd.bf16 v3, v7;
	v6 =	vadd.bf16 v6, v12  }
0x3d: {  	v23 =	vld [tilespmem:s30+$0xFFFFFEE0];
	v7 =	vunpack.i.u.bf16.f32 v14;
	v14 =	vadd.f32 v15, v4;
	v2 =	vadd.f32 v2, v13  }
0x3e: {  	v22 =	vld [tilespmem:s30+$0xFFFFFF70];
	v10 =	vadd.f32 v10, v4;
	v7 =	vadd.f32 v7, v4;
	v12 =	vunpack.i.u.bf16.f32 v3  }
0x3f: {  	v27 =	vld [tilespmem:s30+$0xFFFFFF60];
	v21 =	vunpack.i.l.bf16.f32 v3;
	v13 =	vunpack.i.l.bf16.f32 v6;
	v9 =	vadd.bf16 v17, v9  }
0x40: {  	v15 =	vld [tilespmem:s30+$0xFFFFFEC0];
	v6 =	vunpack.i.u.bf16.f32 v6;
	v17 =	vadd.f32 v12, v4;
	v12 =	vadd.f32 v13, v4  }
0x41: {  	v30 =	vld [tilespmem:s30+$0xA0];
	v13 =	vadd.bf16 v18, v19;
	v19 =	vunpack.i.l.bf16.f32 v8;
	v26 =	vadd.f32 v6, v4  }
0x42: {  	v25 =	vld [tilespmem:s30+$0xFFFFFED0];
	v8 =	vunpack.i.u.bf16.f32 v8;
	v32 =	vadd.f32 v21, v4;
	v18 =	vunpack.i.u.bf16.f32 v9  }
0x43: {  	v29 =	vld [tilespmem:s30+$0x20];
	v28 =	vunpack.i.l.bf16.f32 v9;
	v6 =	vadd.f32 v19, v12;
	v12 =	vadd.bf16 v20, v23  }
0x44: {  	v3 =	vld [tilespmem:s30+$0x110];
	v19 =	vunpack.i.l.bf16.f32 v13;
	v13 =	vunpack.i.u.bf16.f32 v13;
	v8 =	vadd.f32 v8, v26  }
0x45: {  	v20 =	vld [tilespmem:s30+$0x0];
	v21 =	vadd.bf16 v27, v15;
	v15 =	vunpack.i.l.bf16.f32 v16;
	v18 =	vadd.f32 v18, v4  }
0x46: {  	v23 =	vld [tilespmem:s30+$0x120];
	v16 =	vimm.f32 $0.0e+00;
	v19 =	vadd.f32 v19, v4;
	v13 =	vadd.f32 v13, v4  }
0x47: {  	v26 =	vld [tilespmem:s30+$0x80];
	v34 =	vunpack.i.u.bf16.f32 v21;
	v9 =	vadd.f32 v24, v18;
	v24 =	vunpack.i.u.bf16.f32 v12  }
0x48: {  	v18 =	vunpack.i.l.bf16.f32 v12;
	v12 =	vadd.f32 v28, v4;
	v28 =	vld [tilespmem:s30+$0xC0];
	v13 =	vadd.f32 v31, v13  }
0x49: {  	v31 =	vld [tilespmem:s30+$0xB0];
	v15 =	vadd.f32 v15, v19;
	v19 =	vimm.f32 $0.0e+00;
	v27 =	vadd.f32 v18, v4  }
0x4a: {  	v12 =	vadd.f32 v11, v12;
	v11 =	vunpack.i.l.bf16.f32 v1;
	v33 =	vadd.bf16 v30, v20;
	v30 =	vld [tilespmem:s30+$0x70]  }
0x4b: {  	s26 =	sshllo.u32 s25, $0x1;
	s29 =	simm.s32 $0x0;
	v18 =	vimm.f32 $0.0e+00;
	v20 =	vimm.f32 $0.0e+00;
	v11 =	vadd.f32 v11, v32;
	v32 =	vld [tilespmem:s30+$0x10];
	s30 =	simm.s32 $0x550  }
.LBB2_3:
0x4c: {  	v35 =	vld [tilespmem:s30+$0xD0];
	s29 =	sadd.s32 $0x4, s29;
	v21 =	vunpack.i.l.bf16.f32 v21;
	v4 =	vadd.f32 v34, v4;
	v23 =	vadd.bf16 v23, v26  }
0x4d: {  	v22 =	vadd.bf16 v22, v25;
	v25 =	vunpack.i.u.bf16.f32 v33;
	v26 =	vld [tilespmem:s30+$0xFFFFFFF0];
	p0 =	slt.u32 s29, $0xC4;
	v18 =	vadd.f32 v21, v18  }
0x4e: {  	v33 =	vunpack.i.l.bf16.f32 v33;
	v21 =	vld [tilespmem:s30+$0xFFFFFEC0];
	v4 =	vadd.f32 v25, v4;
	v25 =	vunpack.i.u.bf16.f32 v23  }
0x4f: {  	v36 =	vunpack.i.u.bf16.f32 v22;
	v22 =	vunpack.i.l.bf16.f32 v22;
	v34 =	vld [tilespmem:s30+$0x130];
	v18 =	vadd.f32 v33, v18  }
0x50: {  	v16 =	vadd.f32 v24, v16;
	v23 =	vunpack.i.l.bf16.f32 v23;
	v14 =	vadd.f32 v25, v14;
	v33 =	vld [tilespmem:s30+$0x30]  }
0x51: {  	v1 =	vunpack.i.u.bf16.f32 v1;
	v20 =	vadd.f32 v22, v20;
	v22 =	vadd.bf16 v28, v29;
	v24 =	vld [tilespmem:s30+$0x90]  }
0x52: {  	v17 =	vadd.f32 v1, v17;
	v1 =	vadd.bf16 v3, v30;
	v25 =	vld [tilespmem:s30+$0x40]  }
0x53: {  	v19 =	vadd.f32 v36, v19;
	v29 =	vadd.bf16 v31, v32;
	v30 =	vunpack.i.u.bf16.f32 v22;
	v28 =	vld [tilespmem:s30+$0x60]  }
0x54: {  	v22 =	vunpack.i.l.bf16.f32 v22;
	v16 =	vadd.f32 v30, v16;
	v30 =	vunpack.i.l.bf16.f32 v1;
	v3 =	vld [tilespmem:s30+$0x110]  }
0x55: {  	v5 =	vadd.f32 v23, v5;
	v32 =	vunpack.i.u.bf16.f32 v29;
	v29 =	vunpack.i.l.bf16.f32 v29;
	v31 =	vld [tilespmem:s30+$0x100]  }
0x56: {  	v20 =	vadd.f32 v29, v20;
	v1 =	vunpack.i.u.bf16.f32 v1;
	v10 =	vadd.f32 v30, v10;
	v23 =	vld [tilespmem:s30+$0x50]  }
0x57: {  	v27 =	vadd.f32 v22, v27;
	v7 =	vadd.f32 v1, v7;
	v29 =	vld [tilespmem:s30+$0xF0]  }
0x58: {  	v19 =	vadd.f32 v32, v19;
	v30 =	vadd.bf16 v35, v33;
	v22 =	vld [tilespmem:s30+$0xE0]  }
0x59: {  	v32 =	vld [tilespmem:s30+$0xFFFFFF50]  }
0x5a: {  	v33 =	vld [tilespmem:s30+$0xFFFFFFE0];
	v1 =	vadd.bf16 v31, v28  }
0x5b: {  	v28 =	vld [tilespmem:s30+$0xFFFFFF40]  }
0x5c: {  	v31 =	vld [tilespmem:s30+$0xFFFFFFD0];
	v23 =	vadd.bf16 v29, v23  }
0x5d: {  	v29 =	vld [tilespmem:s30+$0xFFFFFF30];
	v35 =	vadd.bf16 v22, v25  }
0x5e: {  	v22 =	vld [tilespmem:s30+$0xFFFFFFC0];
	v25 =	vadd.bf16 v26, v32  }
0x5f: {  	v24 =	vadd.bf16 v34, v24;
	v26 =	vld [tilespmem:s30+$0xFFFFFF20]  }
0x60: {  	v32 =	vld [tilespmem:s30+$0xFFFFFFB0];
	v28 =	vadd.bf16 v33, v28;
	v33 =	vunpack.i.u.bf16.f32 v25;
	v25 =	vunpack.i.l.bf16.f32 v25  }
0x61: {  	v34 =	vld [tilespmem:s30+$0xFFFFFF10];
	v0 =	vadd.f32 v25, v0;
	v2 =	vadd.f32 v33, v2;
	v25 =	vunpack.i.l.bf16.f32 v24  }
0x62: {  	v33 =	vld [tilespmem:s30+$0xFFFFFFA0];
	v29 =	vadd.bf16 v31, v29;
	v31 =	vunpack.i.u.bf16.f32 v28;
	v28 =	vunpack.i.l.bf16.f32 v28  }
0x63: {  	v36 =	vld [tilespmem:s30+$0xFFFFFF00];
	v5 =	vadd.f32 v28, v5;
	v0 =	vadd.f32 v25, v0  }
0x64: {  	v28 =	vld [tilespmem:s30+$0xFFFFFF90];
	v22 =	vadd.bf16 v22, v26;
	v25 =	vunpack.i.u.bf16.f32 v29;
	v26 =	vunpack.i.l.bf16.f32 v29  }
0x65: {  	v24 =	vunpack.i.u.bf16.f32 v24;
	v29 =	vld [tilespmem:s30+$0xFFFFFEF0];
	v10 =	vadd.f32 v26, v10;
	v7 =	vadd.f32 v25, v7  }
0x66: {  	v26 =	vld [tilespmem:s30+$0xFFFFFF80];
	v32 =	vadd.bf16 v32, v34;
	v25 =	vunpack.i.u.bf16.f32 v22;
	v34 =	vunpack.i.l.bf16.f32 v22  }
0x67: {  	v14 =	vadd.f32 v31, v14;
	v31 =	vunpack.i.u.bf16.f32 v35;
	v2 =	vadd.f32 v24, v2;
	v37 =	vld [tilespmem:s30+$0xFFFFFEE0]  }
0x68: {  	v17 =	vadd.f32 v25, v17;
	v22 =	vld [tilespmem:s30+$0xFFFFFF70];
	v24 =	vadd.bf16 v33, v36;
	v33 =	vunpack.i.l.bf16.f32 v32  }
0x69: {  	v32 =	vunpack.i.u.bf16.f32 v32;
	v25 =	vld [tilespmem:s30+$0xFFFFFED0];
	v6 =	vadd.f32 v33, v6;
	v33 =	vunpack.i.l.bf16.f32 v23  }
0x6a: {  	v8 =	vadd.f32 v32, v8;
	v36 =	vld [tilespmem:s30+$0xFFFFFF60];
	v28 =	vadd.bf16 v28, v29;
	v29 =	vunpack.i.u.bf16.f32 v24  }
0x6b: {  	v32 =	vunpack.i.l.bf16.f32 v24;
	v9 =	vadd.f32 v29, v9;
	v38 =	vld [tilespmem:s30+$0xA0];
	v6 =	vadd.f32 v33, v6  }
0x6c: {  	v23 =	vunpack.i.u.bf16.f32 v23;
	v26 =	vadd.bf16 v26, v37;
	v29 =	vunpack.i.l.bf16.f32 v28;
	v33 =	vld [tilespmem:s30+$0x0]  }
0x6d: {  	v8 =	vadd.f32 v23, v8;
	v28 =	vunpack.i.u.bf16.f32 v28;
	v9 =	vadd.f32 v31, v9;
	v23 =	vld [tilespmem:s30+$0x120]  }
0x6e: {  	v12 =	vadd.f32 v32, v12;
	v24 =	vunpack.i.u.bf16.f32 v26;
	v37 =	vunpack.i.l.bf16.f32 v26;
	v26 =	vld [tilespmem:s30+$0x80]  }
.Ltmp0:
0x6f: {  	v15 =	vadd.f32 v29, v15;
	v13 =	vadd.f32 v28, v13;
	v31 =	vunpack.i.l.bf16.f32 v35;
	v28 =	vld [tilespmem:s30+$0xC0];
	(pc) =	sbr.rel @p0 .LBB2_3-.Ltmp0, $4  }
0x70: {  	v11 =	vadd.f32 v34, v11;
	v32 =	vunpack.i.u.bf16.f32 v30;
	v12 =	vadd.f32 v31, v12;
	v29 =	vld [tilespmem:s30+$0x20]  }
0x71: {  	v34 =	vunpack.i.l.bf16.f32 v1;
	v21 =	vadd.bf16 v36, v21;
	v13 =	vadd.f32 v32, v13;
	v31 =	vld [tilespmem:s30+$0xB0]  }
0x72: {  	v11 =	vadd.f32 v34, v11;
	v30 =	vunpack.i.l.bf16.f32 v30;
	v33 =	vadd.bf16 v38, v33;
	v32 =	vld [tilespmem:s30+$0x10]  }
0x73: {  	v27 =	vadd.f32 v37, v27;
	v15 =	vadd.f32 v30, v15;
	v34 =	vunpack.i.u.bf16.f32 v21;
	v30 =	vld [tilespmem:s30+$0x70];
	s30 =	sadd.s32 $0x280, s30  }
0x74: {  	v21 =	vunpack.i.l.bf16.f32 v21;
	p0 =	seq.s32 s25, $0x0  }
0x75: {  	v18 =	vadd.f32 v21, v18;
	s29 =	simm.s32 @!p0 $0x3  }
0x76: {  	v4 =	vadd.f32 v34, v4;
	v22 =	vadd.bf16 v22, v25;
	v25 =	vunpack.i.l.bf16.f32 v33;
	_ =	swait.ge @!p0 [sflag:s29], $0x140  }
0x77: {  	v21 =	vunpack.i.u.bf16.f32 v33;
	v18 =	vadd.f32 v25, v18;
	[sflag:s29] =	ssyncset.done @!p0 $0x0  }
0x78: {  	v4 =	vadd.f32 v21, v4;
	[sflag:s29] =	ssyncadd.s32 @!p0 $0xFFFFFEC0  }
0x79: {  	[tilespmem:$0xFB90] =	vst v18  }
0x7a: {  	[tilespmem:$0xFBA0] =	vst v4  }
0x7b: {  	[tilespmem:$0xFBF0] =	vst v15  }
0x7c: {  	[tilespmem:$0xFC00] =	vst v13  }
0x7d: {  	[tilespmem:$0xFC10] =	vst v12  }
0x7e: {  	[tilespmem:$0xFC20] =	vst v9  }
0x7f: {  	v1 =	vunpack.i.u.bf16.f32 v1;
	[tilespmem:$0xFC30] =	vst v6  }
0x80: {  	v1 =	vadd.f32 v1, v17;
	v21 =	vunpack.i.l.bf16.f32 v22;
	v31 =	vadd.bf16 v31, v32;
	[tilespmem:$0xFC40] =	vst v8  }
0x81: {  	v22 =	vunpack.i.u.bf16.f32 v22;
	v20 =	vadd.f32 v21, v20;
	v21 =	vadd.bf16 v28, v29;
	[tilespmem:$0xFC50] =	vst v11  }
0x82: {  	v16 =	vadd.f32 v24, v16;
	v19 =	vadd.f32 v22, v19;
	v22 =	vunpack.i.l.bf16.f32 v31;
	[tilespmem:$0xFC60] =	vst v1  }
0x83: {  	v4 =	vunpack.i.u.bf16.f32 v21;
	[tilespmem:$0xFCB0] =	vst v0;
	v20 =	vadd.f32 v22, v20  }
0x84: {  	v3 =	vadd.bf16 v3, v30;
	v25 =	vunpack.i.u.bf16.f32 v31;
	[tilespmem:$0xFCC0] =	vst v2;
	v4 =	vadd.f32 v4, v16  }
0x85: {  	v18 =	vunpack.i.l.bf16.f32 v21;
	v19 =	vadd.f32 v25, v19;
	[tilespmem:$0xFBB0] =	vst v20  }
0x86: {  	v18 =	vadd.f32 v18, v27;
	v6 =	vunpack.i.l.bf16.f32 v3;
	[tilespmem:$0xFBE0] =	vst v4;
	v4 =	vadd.bf16 v23, v26  }
0x87: {  	v3 =	vunpack.i.u.bf16.f32 v3;
	v6 =	vadd.f32 v6, v10;
	[tilespmem:$0xFBC0] =	vst v19  }
0x88: {  	v3 =	vadd.f32 v3, v7;
	[tilespmem:$0xFBD0] =	vst v18;
	v8 =	vunpack.i.l.bf16.f32 v4  }
0x89: {  	s28 =	sadd.s32 s3, s28;
	[tilespmem:$0xFC70] =	vst v6;
	v1 =	vunpack.i.u.bf16.f32 v4;
	v4 =	vadd.f32 v8, v5  }
0x8a: {  	s28 =	smul.u32 $0x28, s28;
	[tilespmem:$0xFC80] =	vst v3;
	v1 =	vadd.f32 v1, v14  }
0x8b: {  	[tilespmem:$0xFC90] =	vst v4  }
0x8c: {  	s28 =	sadd.s32 s7, s28;
	[tilespmem:$0xFCA0] =	vst v1  }
0x8d: {  	[hbm4b:s28+s2] =	stream.linear.scatter [tilespmem:s21], [sflag:$0x3], $0x140, $0x38;
	[tilespmem:$0xFE10] =	vst v63  }
0x8e: {  	s28 =	simm.s32 @p1 $0x1  }
0x8f: {  	_ =	swait.ge @p1 [sflag:s28], $0x4100  }
0x90: {  	[sflag:s28] =	ssyncset.done @p1 $0x0  }
0x91: {  	[sflag:s28] =	ssyncadd.s32 @p1 $0xFFFFBF00  }
0x92: {  	_ =	swait.ge @p1 [sflag:s28], $0x3C00  }
0x93: {  	[sflag:s28] =	ssyncset.done @p1 $0x0  }
0x94: {  	[sflag:s28] =	ssyncadd.s32 @p1 $0xFFFFC400;
	s28 =	simm.s32 @!p1 $0x2  }
0x95: {  	_ =	swait.ge @!p1 [sflag:s28], $0xC8  }
0x96: {  	s30 =	simm.s32 @!p1 $0x190;
	[sflag:s28] =	ssyncset.done @!p1 $0x0  }
0x97: {  	s29 =	simm.s32 @!p1 $0x0;
	[sflag:s28] =	ssyncadd.s32 @!p1 $0xFFFFFF38;
	s28 =	simm.s32 @!p1 $0x68  }
0x98: {  	[tilespmem:s30], [sflag:$0x1] =	stream.indirect.gather @!p1 [hbm4b:s5+s28], $0xA0, s29, s28, $0xb8;
	[tilespmem:$0xFE10] =	vst v63  }
0x99: {  	s31 =	simm.s32 @!p1 $0x4290;
	s30 =	simm.s32 @!p1 $0x60  }
0x9a: {  	[tilespmem:s31], [sflag:$0x1] =	stream.indirect.gather @!p1 [hbm4b:s5+s30], $0xA0, s28, s30, $0xb8;
	[tilespmem:$0xFE10] =	vst v63  }
0x9b: {  	s28 =	simm.s32 @!p1 $0x1  }
0x9c: {  	s30 =	sadd.s32 @!p1 s3, s26;
	_ =	swait.ge @!p1 [sflag:s28], $0x4100  }
0x9d: {  	s30 =	smul.u32 @!p1 $0xC8, s30;
	[sflag:s28] =	ssyncset.done @!p1 $0x0  }
0x9e: {  	[sflag:s28] =	ssyncadd.s32 @!p1 $0xFFFFBF00  }
0x9f: {  	s30 =	sshrl.u32 @!p1 s30, $0x3;
	_ =	swait.ge @!p1 [sflag:s28], $0x3C00  }
0xa0: {  	s30 =	sadd.s32 @!p1 s4, s30;
	[sflag:s28] =	ssyncset.done @!p1 $0x0  }
0xa1: {  	[sflag:s28] =	ssyncadd.s32 @!p1 $0xFFFFC400;
	s28 =	sadd.s32 @!p1 $0x32, s30;
	s30 =	simm.s32 @!p1 $0xC8  }
0xa2: {  	[tilespmem:s30], [sflag:$0x2] =	stream.linear.gather @!p1 [hbm4b:s28+s29], $0xC8, $0x38;
	[tilespmem:$0xFE10] =	vst v63  }
0xa3: {  	s29 =	simm.s32 $0x7FD0  }
0xa4: {  	v0 =	vld [tilespmem:s29+$0xD0]  }
0xa5: {  	v1 =	vld [tilespmem:s29+$0xFFFFFFF0]  }
0xa6: {  	v2 =	vld [tilespmem:s29+$0x130]  }
0xa7: {  	v3 =	vld [tilespmem:s29+$0x30]  }
0xa8: {  	v4 =	vld [tilespmem:s29+$0x90]  }
0xa9: {  	v5 =	vld [tilespmem:s29+$0x40]  }
0xaa: {  	v6 =	vld [tilespmem:s29+$0x60]  }
0xab: {  	v7 =	vld [tilespmem:s29+$0x100]  }
0xac: {  	v8 =	vld [tilespmem:s29+$0x50]  }
0xad: {  	v9 =	vld [tilespmem:s29+$0xF0]  }
0xae: {  	v10 =	vld [tilespmem:s29+$0xE0]  }
0xaf: {  	v11 =	vld [tilespmem:s29+$0xFFFFFF50]  }
0xb0: {  	v12 =	vld [tilespmem:s29+$0xFFFFFFE0]  }
0xb1: {  	v13 =	vld [tilespmem:s29+$0xFFFFFF40]  }
0xb2: {  	v14 =	vld [tilespmem:s29+$0xFFFFFFD0]  }
0xb3: {  	v15 =	vld [tilespmem:s29+$0xFFFFFF30]  }
0xb4: {  	v30 =	vld [tilespmem:s29+$0xA0]  }
0xb5: {  	v31 =	vld [tilespmem:s29+$0x0]  }
0xb6: {  	v16 =	vadd.bf16 v0, v3  }
0xb7: {  	v17 =	vld [tilespmem:s29+$0xFFFFFFC0];
	v0 =	vadd.bf16 v1, v11;
	v1 =	vadd.bf16 v7, v6  }
0xb8: {  	v18 =	vld [tilespmem:s29+$0xFFFFFF00];
	v8 =	vadd.bf16 v9, v8;
	v11 =	vadd.bf16 v10, v5  }
0xb9: {  	v6 =	vld [tilespmem:s29+$0xFFFFFF20];
	v2 =	vadd.bf16 v2, v4;
	v7 =	vadd.bf16 v12, v13  }
0xba: {  	v3 =	vimm.f32 $0.0e+00;
	v4 =	vld [tilespmem:s29+$0xFFFFFFB0];
	v14 =	vadd.bf16 v14, v15;
	v33 =	vadd.bf16 v30, v31  }
0xbb: {  	v9 =	vld [tilespmem:s29+$0xFFFFFF10];
	v5 =	vunpack.i.l.bf16.f32 v0;
	v0 =	vunpack.i.u.bf16.f32 v0;
	v15 =	vunpack.i.u.bf16.f32 v7  }
0xbc: {  	v19 =	vld [tilespmem:s29+$0xFFFFFF90];
	v24 =	vunpack.i.u.bf16.f32 v11;
	v11 =	vunpack.i.l.bf16.f32 v11;
	v10 =	vadd.f32 v5, v3  }
0xbd: {  	v13 =	vld [tilespmem:s29+$0xFFFFFFA0];
	v12 =	vadd.f32 v0, v3;
	v0 =	vunpack.i.l.bf16.f32 v2;
	v5 =	vunpack.i.l.bf16.f32 v7  }
0xbe: {  	v20 =	vld [tilespmem:s29+$0xFFFFFEF0];
	v7 =	vunpack.i.l.bf16.f32 v14;
	v5 =	vadd.f32 v5, v3;
	v0 =	vadd.f32 v0, v10  }
0xbf: {  	v14 =	vunpack.i.u.bf16.f32 v14;
	v6 =	vadd.bf16 v17, v6;
	v10 =	vadd.f32 v7, v3  }
0xc0: {  	v21 =	vld [tilespmem:s29+$0xFFFFFF80];
	v2 =	vunpack.i.u.bf16.f32 v2;
	v7 =	vadd.f32 v14, v3;
	v9 =	vadd.bf16 v4, v9  }
0xc1: {  	v23 =	vld [tilespmem:s29+$0xFFFFFEE0];
	v14 =	vadd.f32 v15, v3;
	v2 =	vadd.f32 v2, v12;
	v17 =	vunpack.i.u.bf16.f32 v6  }
0xc2: {  	v27 =	vunpack.i.l.bf16.f32 v6;
	v6 =	vadd.bf16 v13, v18;
	v12 =	vunpack.i.l.bf16.f32 v9  }
0xc3: {  	v22 =	vld [tilespmem:s29+$0xFFFFFF70];
	v9 =	vunpack.i.u.bf16.f32 v9;
	v13 =	vadd.bf16 v19, v20;
	v19 =	vunpack.i.l.bf16.f32 v8  }
0xc4: {  	v15 =	vld [tilespmem:s29+$0xFFFFFEC0];
	v17 =	vadd.f32 v17, v3;
	v12 =	vadd.f32 v12, v3;
	v18 =	vunpack.i.u.bf16.f32 v6  }
0xc5: {  	v20 =	vld [tilespmem:s29+$0xFFFFFF60];
	v8 =	vunpack.i.u.bf16.f32 v8;
	v26 =	vadd.f32 v9, v3;
	v9 =	vadd.f32 v18, v3  }
0xc6: {  	v25 =	vld [tilespmem:s29+$0xFFFFFED0];
	v18 =	vunpack.i.l.bf16.f32 v6;
	v6 =	vadd.f32 v19, v12;
	v12 =	vadd.bf16 v21, v23  }
0xc7: {  	v28 =	vld [tilespmem:s29+$0xC0];
	v19 =	vunpack.i.l.bf16.f32 v13;
	v13 =	vunpack.i.u.bf16.f32 v13;
	v8 =	vadd.f32 v8, v26  }
0xc8: {  	v29 =	vld [tilespmem:s29+$0x20];
	v13 =	vadd.f32 v13, v3;
	v9 =	vadd.f32 v24, v9;
	v24 =	vunpack.i.u.bf16.f32 v12  }
0xc9: {  	v23 =	vld [tilespmem:s29+$0x120];
	v35 =	vunpack.i.l.bf16.f32 v12;
	v12 =	vadd.f32 v18, v3;
	v18 =	vadd.f32 v19, v3  }
0xca: {  	v26 =	vld [tilespmem:s29+$0x80];
	v19 =	vadd.f32 v27, v3;
	v27 =	vunpack.i.u.bf16.f32 v16;
	v21 =	vadd.bf16 v20, v15  }
0xcb: {  	v32 =	vld [tilespmem:s29+$0x10];
	v15 =	vunpack.i.l.bf16.f32 v16;
	v16 =	vimm.f32 $0.0e+00;
	v13 =	vadd.f32 v27, v13  }
0xcc: {  	v31 =	vld [tilespmem:s29+$0xB0];
	v20 =	vimm.f32 $0.0e+00;
	v27 =	vadd.f32 v35, v3;
	v12 =	vadd.f32 v11, v12  }
0xcd: {  	v30 =	vld [tilespmem:s29+$0x70];
	v11 =	vunpack.i.l.bf16.f32 v1;
	v34 =	vunpack.i.u.bf16.f32 v21;
	v15 =	vadd.f32 v15, v18  }
0xce: {  	s28 =	simm.s32 $0x0;
	v4 =	vld [tilespmem:s29+$0x110];
	s29 =	simm.s32 $0x8250;
	v18 =	vimm.f32 $0.0e+00;
	v11 =	vadd.f32 v11, v19;
	v19 =	vimm.f32 $0.0e+00  }
.LBB2_5:
0xcf: {  	v35 =	vld [tilespmem:s29+$0xD0];
	s28 =	sadd.s32 $0x4, s28;
	v21 =	vunpack.i.l.bf16.f32 v21;
	v3 =	vadd.f32 v34, v3;
	v23 =	vadd.bf16 v23, v26  }
0xd0: {  	v22 =	vadd.bf16 v22, v25;
	v25 =	vunpack.i.u.bf16.f32 v33;
	v26 =	vld [tilespmem:s29+$0xFFFFFFF0];
	p1 =	slt.u32 s28, $0xC4;
	v18 =	vadd.f32 v21, v18  }
0xd1: {  	v33 =	vunpack.i.l.bf16.f32 v33;
	v21 =	vld [tilespmem:s29+$0xFFFFFEC0];
	v3 =	vadd.f32 v25, v3;
	v25 =	vunpack.i.u.bf16.f32 v23  }
0xd2: {  	v36 =	vunpack.i.u.bf16.f32 v22;
	v22 =	vunpack.i.l.bf16.f32 v22;
	v34 =	vld [tilespmem:s29+$0x130];
	v18 =	vadd.f32 v33, v18  }
0xd3: {  	v16 =	vadd.f32 v24, v16;
	v23 =	vunpack.i.l.bf16.f32 v23;
	v14 =	vadd.f32 v25, v14;
	v33 =	vld [tilespmem:s29+$0x30]  }
0xd4: {  	v1 =	vunpack.i.u.bf16.f32 v1;
	v20 =	vadd.f32 v22, v20;
	v22 =	vadd.bf16 v28, v29;
	v24 =	vld [tilespmem:s29+$0x90]  }
0xd5: {  	v17 =	vadd.f32 v1, v17;
	v1 =	vadd.bf16 v4, v30;
	v25 =	vld [tilespmem:s29+$0x40]  }
0xd6: {  	v19 =	vadd.f32 v36, v19;
	v29 =	vadd.bf16 v31, v32;
	v30 =	vunpack.i.u.bf16.f32 v22;
	v28 =	vld [tilespmem:s29+$0x60]  }
0xd7: {  	v22 =	vunpack.i.l.bf16.f32 v22;
	v16 =	vadd.f32 v30, v16;
	v30 =	vunpack.i.l.bf16.f32 v1;
	v4 =	vld [tilespmem:s29+$0x110]  }
0xd8: {  	v5 =	vadd.f32 v23, v5;
	v32 =	vunpack.i.u.bf16.f32 v29;
	v29 =	vunpack.i.l.bf16.f32 v29;
	v31 =	vld [tilespmem:s29+$0x100]  }
0xd9: {  	v20 =	vadd.f32 v29, v20;
	v1 =	vunpack.i.u.bf16.f32 v1;
	v10 =	vadd.f32 v30, v10;
	v23 =	vld [tilespmem:s29+$0x50]  }
0xda: {  	v27 =	vadd.f32 v22, v27;
	v7 =	vadd.f32 v1, v7;
	v29 =	vld [tilespmem:s29+$0xF0]  }
0xdb: {  	v19 =	vadd.f32 v32, v19;
	v30 =	vadd.bf16 v35, v33;
	v22 =	vld [tilespmem:s29+$0xE0]  }
0xdc: {  	v32 =	vld [tilespmem:s29+$0xFFFFFF50]  }
0xdd: {  	v33 =	vld [tilespmem:s29+$0xFFFFFFE0];
	v1 =	vadd.bf16 v31, v28  }
0xde: {  	v28 =	vld [tilespmem:s29+$0xFFFFFF40]  }
0xdf: {  	v31 =	vld [tilespmem:s29+$0xFFFFFFD0];
	v23 =	vadd.bf16 v29, v23  }
0xe0: {  	v29 =	vld [tilespmem:s29+$0xFFFFFF30];
	v35 =	vadd.bf16 v22, v25  }
0xe1: {  	v22 =	vld [tilespmem:s29+$0xFFFFFFC0];
	v25 =	vadd.bf16 v26, v32  }
0xe2: {  	v24 =	vadd.bf16 v34, v24;
	v26 =	vld [tilespmem:s29+$0xFFFFFF20]  }
0xe3: {  	v32 =	vld [tilespmem:s29+$0xFFFFFFB0];
	v28 =	vadd.bf16 v33, v28;
	v33 =	vunpack.i.u.bf16.f32 v25;
	v25 =	vunpack.i.l.bf16.f32 v25  }
0xe4: {  	v34 =	vld [tilespmem:s29+$0xFFFFFF10];
	v0 =	vadd.f32 v25, v0;
	v2 =	vadd.f32 v33, v2;
	v25 =	vunpack.i.l.bf16.f32 v24  }
0xe5: {  	v33 =	vld [tilespmem:s29+$0xFFFFFFA0];
	v29 =	vadd.bf16 v31, v29;
	v31 =	vunpack.i.u.bf16.f32 v28;
	v28 =	vunpack.i.l.bf16.f32 v28  }
0xe6: {  	v36 =	vld [tilespmem:s29+$0xFFFFFF00];
	v5 =	vadd.f32 v28, v5;
	v0 =	vadd.f32 v25, v0  }
0xe7: {  	v28 =	vld [tilespmem:s29+$0xFFFFFF90];
	v22 =	vadd.bf16 v22, v26;
	v25 =	vunpack.i.u.bf16.f32 v29;
	v26 =	vunpack.i.l.bf16.f32 v29  }
0xe8: {  	v24 =	vunpack.i.u.bf16.f32 v24;
	v29 =	vld [tilespmem:s29+$0xFFFFFEF0];
	v10 =	vadd.f32 v26, v10;
	v7 =	vadd.f32 v25, v7  }
0xe9: {  	v26 =	vld [tilespmem:s29+$0xFFFFFF80];
	v32 =	vadd.bf16 v32, v34;
	v25 =	vunpack.i.u.bf16.f32 v22;
	v34 =	vunpack.i.l.bf16.f32 v22  }
0xea: {  	v14 =	vadd.f32 v31, v14;
	v31 =	vunpack.i.u.bf16.f32 v35;
	v2 =	vadd.f32 v24, v2;
	v37 =	vld [tilespmem:s29+$0xFFFFFEE0]  }
0xeb: {  	v17 =	vadd.f32 v25, v17;
	v22 =	vld [tilespmem:s29+$0xFFFFFF70];
	v24 =	vadd.bf16 v33, v36;
	v33 =	vunpack.i.l.bf16.f32 v32  }
0xec: {  	v32 =	vunpack.i.u.bf16.f32 v32;
	v25 =	vld [tilespmem:s29+$0xFFFFFED0];
	v6 =	vadd.f32 v33, v6;
	v33 =	vunpack.i.l.bf16.f32 v23  }
0xed: {  	v8 =	vadd.f32 v32, v8;
	v36 =	vld [tilespmem:s29+$0xFFFFFF60];
	v28 =	vadd.bf16 v28, v29;
	v29 =	vunpack.i.u.bf16.f32 v24  }
0xee: {  	v32 =	vunpack.i.l.bf16.f32 v24;
	v9 =	vadd.f32 v29, v9;
	v38 =	vld [tilespmem:s29+$0xA0];
	v6 =	vadd.f32 v33, v6  }
0xef: {  	v23 =	vunpack.i.u.bf16.f32 v23;
	v26 =	vadd.bf16 v26, v37;
	v29 =	vunpack.i.l.bf16.f32 v28;
	v33 =	vld [tilespmem:s29+$0x0]  }
0xf0: {  	v8 =	vadd.f32 v23, v8;
	v28 =	vunpack.i.u.bf16.f32 v28;
	v9 =	vadd.f32 v31, v9;
	v23 =	vld [tilespmem:s29+$0x120]  }
0xf1: {  	v12 =	vadd.f32 v32, v12;
	v24 =	vunpack.i.u.bf16.f32 v26;
	v37 =	vunpack.i.l.bf16.f32 v26;
	v26 =	vld [tilespmem:s29+$0x80]  }
.Ltmp1:
0xf2: {  	v15 =	vadd.f32 v29, v15;
	v13 =	vadd.f32 v28, v13;
	v31 =	vunpack.i.l.bf16.f32 v35;
	v28 =	vld [tilespmem:s29+$0xC0];
	(pc) =	sbr.rel @p1 .LBB2_5-.Ltmp1, $4  }
0xf3: {  	v11 =	vadd.f32 v34, v11;
	v32 =	vunpack.i.u.bf16.f32 v30;
	v12 =	vadd.f32 v31, v12;
	v29 =	vld [tilespmem:s29+$0x20]  }
0xf4: {  	v34 =	vunpack.i.l.bf16.f32 v1;
	v21 =	vadd.bf16 v36, v21;
	v13 =	vadd.f32 v32, v13;
	v31 =	vld [tilespmem:s29+$0xB0]  }
0xf5: {  	v11 =	vadd.f32 v34, v11;
	v30 =	vunpack.i.l.bf16.f32 v30;
	v33 =	vadd.bf16 v38, v33;
	v32 =	vld [tilespmem:s29+$0x10]  }
0xf6: {  	v27 =	vadd.f32 v37, v27;
	v15 =	vadd.f32 v30, v15;
	v34 =	vunpack.i.u.bf16.f32 v21;
	v30 =	vld [tilespmem:s29+$0x70];
	s29 =	sadd.s32 $0x280, s29  }
0xf7: {  	v3 =	vadd.f32 v34, v3;
	s28 =	simm.s32 @!p0 $0x3  }
0xf8: {  	v50 =	vunpack.i.u.bf16.f32 v33;
	_ =	swait.ge @!p0 [sflag:s28], $0x140  }
0xf9: {  	v3 =	vadd.f32 v50, v3;
	[sflag:s28] =	ssyncset.done @!p0 $0x0  }
0xfa: {  	[sflag:s28] =	ssyncadd.s32 @!p0 $0xFFFFFEC0  }
0xfb: {  	[tilespmem:$0xFCE0] =	vst v3  }
0xfc: {  	[tilespmem:$0xFD30] =	vst v15  }
0xfd: {  	[tilespmem:$0xFD40] =	vst v13  }
0xfe: {  	[tilespmem:$0xFD50] =	vst v12  }
0xff: {  	[tilespmem:$0xFD60] =	vst v9  }
0x100: {  	v1 =	vunpack.i.u.bf16.f32 v1;
	[tilespmem:$0xFD70] =	vst v6  }
0x101: {  	v21 =	vunpack.i.l.bf16.f32 v21;
	v22 =	vadd.bf16 v22, v25;
	v1 =	vadd.f32 v1, v17;
	[tilespmem:$0xFD80] =	vst v8  }
0x102: {  	v51 =	vunpack.i.l.bf16.f32 v33;
	v59 =	vadd.bf16 v23, v26;
	v18 =	vadd.f32 v21, v18;
	[tilespmem:$0xFD90] =	vst v11  }
0x103: {  	v16 =	vadd.f32 v24, v16;
	v53 =	vadd.bf16 v28, v29;
	v52 =	vunpack.i.l.bf16.f32 v22;
	[tilespmem:$0xFDA0] =	vst v1  }
0x104: {  	v22 =	vunpack.i.u.bf16.f32 v22;
	v61 =	vunpack.i.l.bf16.f32 v59;
	v18 =	vadd.f32 v51, v18;
	[tilespmem:$0xFDF0] =	vst v0  }
0x105: {  	v31 =	vadd.bf16 v31, v32;
	v57 =	vunpack.i.u.bf16.f32 v53;
	v63 =	vadd.f32 v61, v5;
	[tilespmem:$0xFE00] =	vst v2  }
0x106: {  	v62 =	vunpack.i.u.bf16.f32 v59;
	v20 =	vadd.f32 v52, v20;
	v3 =	vadd.f32 v57, v16;
	[tilespmem:$0xFCD0] =	vst v18  }
0x107: {  	v19 =	vadd.f32 v22, v19;
	v56 =	vunpack.i.l.bf16.f32 v53;
	v1 =	vadd.f32 v62, v14;
	[tilespmem:$0xFDD0] =	vst v63  }
0x108: {  	v58 =	vadd.bf16 v4, v30;
	v54 =	vunpack.i.l.bf16.f32 v31;
	v18 =	vadd.f32 v56, v27;
	[tilespmem:$0xFD20] =	vst v3  }
0x109: {  	s25 =	sadd.s32 $0x1, s25;
	v55 =	vunpack.i.u.bf16.f32 v31;
	v20 =	vadd.f32 v54, v20;
	[tilespmem:$0xFDE0] =	vst v1  }
0x10a: {  	p0 =	sne.s32 s25, $0x100;
	v19 =	vadd.f32 v55, v19;
	v60 =	vunpack.i.l.bf16.f32 v58;
	[tilespmem:$0xFD10] =	vst v18  }
.Ltmp2:
0x10b: {  	s26 =	sadd.s32 s3, s26;
	v3 =	vunpack.i.u.bf16.f32 v58;
	v6 =	vadd.f32 v60, v10;
	[tilespmem:$0xFCF0] =	vst v20;
	(pc) =	sbr.rel @p0 .LBB2_2-.Ltmp2, $4  }
0x10c: {  	s26 =	smul.u32 $0x28, s26;
	v3 =	vadd.f32 v3, v7;
	[tilespmem:$0xFD00] =	vst v19  }
0x10d: {  	[tilespmem:$0xFDB0] =	vst v6  }
0x10e: {  	s26 =	sadd.s32 s7, s26;
	[tilespmem:$0xFDC0] =	vst v3  }
0x10f: {  	[hbm4b:s26+s2] =	stream.linear.scatter [tilespmem:s22], [sflag:$0x3], $0x140, $0x38;
	[tilespmem:$0xFE10] =	vst v63  }
0x110: {  	s24 =	sadd.s32 $0x1, s24  }
0x111: {  	_ =	swait.ge [sflag:s23], $0x140;
	p0 =	sne.s32 s24, s9  }
.Ltmp3:
0x112: {  	[sflag:s23] =	ssyncset.done $0x0;
	(pc) =	sbr.rel @p0 .LBB2_1-.Ltmp3, $4  }
0x113: {  	[sflag:s23] =	ssyncadd.s32 $0xFFFFFEC0  }
0x114: {  	_ =	swait.ge [sflag:s23], $0x140  }
0x115: {  	[sflag:s23] =	ssyncset.done $0x0  }
0x116: {  	[sflag:s23] =	ssyncadd.s32 $0xFFFFFEC0  }
0x117: {  	_ =	sfence.sel $0x180000  }
0x118: {  	[bflag:$0x0] =	sbarrier.arrive $0xFFFF  }
0x119: {  	p0 =	sne.s32 s0, $0x0;
	_ =	strace $0x90000047  }
0x11a: {  	s0 =	sadd.s32 @!p0 $0x100000, s1;
	[bflag:$0x2] =	sbarrier.arrive $0xFFFF  }
0x11b: {  	[sflag:s0] =	ssyncadd.tile.s32 @!p0 $0x1;
	_ =	shalt  }
.Lfunc_end2:
_tile_overlayer_lowered:
.L_overlay_start_2:
0x11c: {  	(tag) =	ssettag $0x2  }
0x11d: {  	s0 =	rddreg [dreg:$0x0];
	s2 =	stileid.u32  }
0x11e: {  	s1 =	rddreg [dreg:$0x1];
	p0 =	sne.s32 s2, $0x0  }
0x11f: {  	s3 =	rddreg [dreg:$0x2];
	[bflag:$0x3] =	sbarrier.arrive $0xFFFF;
	s2 =	simm.s32 @!p0 $0x1C04  }
0x120: {  	[timem:s3], [sflag:s2] =	dma.local @!p0 [hbm:s0], s1  }
0x121: {  	s0 =	simm.s32 @!p0 $0x4  }
0x122: {  	_ =	swait.ge @!p0 [sflag:s0], s1  }
0x123: {  	s1 =	ssub.s32 @!p0 $0x0, s1;
	[sflag:s0] =	ssyncset.done @!p0 $0x0  }
0x124: {  	[sflag:s0] =	ssyncadd.s32 @!p0 s1  }
0x125: {  	[bflag:$0x3] =	sbarrier.arrive $0xFFFF  }
0x126: {  	_ =	shalt  }

</sc_bundles>
